<compile_context>
chip_gen: v7x
topology: tpu7x:2x2x1
jax: 0.10.2.dev20260603
libtpu: 0.0.44.dev20260713+nightly
codegen_flags: <defaults>
</compile_context>

<pallas_src>
import functools

import jax
import jax.numpy as jnp
from jax import lax
from jax.experimental import pallas as pl
from jax.experimental.pallas import tpu as pltpu
from jax.experimental.pallas import tpu_sc as plsc

_B = 16384
_T = 200
_D = 64
_V = 100
_BQ = _B // 4
_NT = _BQ // 128


def _sc_embedding_gather(ids_t, tab_x):
    mesh = plsc.VectorSubcoreMesh(core_axis_name="c", subcore_axis_name="s")

    @functools.partial(
        pl.kernel,
        out_type=jax.ShapeDtypeStruct((_T, 8, 128, 8, 128), jnp.float32),
        mesh=mesh,
        compiler_params=pltpu.CompilerParams(use_tc_tiling_on_sc=False,
                                             needs_layout_passes=False),
        scratch_types=[
            pltpu.VMEM((_V * _D,), jnp.float32),
            pltpu.VMEM((_BQ,), jnp.int32),
            pltpu.VMEM((_BQ,), jnp.int32),
            pltpu.VMEM((_NT, 8, 128), jnp.float32),
            pltpu.VMEM((_NT, 8, 128), jnp.float32),
            pltpu.SemaphoreType.DMA,
            pltpu.SemaphoreType.DMA,
            pltpu.SemaphoreType.DMA,
            pltpu.SemaphoreType.DMA,
        ],
    )
    def k(ids_hbm, tab_hbm, out_hbm, tab_v, iv0, iv1, ov0, ov1,
          si0, si1, so0, so1):
        wid = lax.axis_index("s") * 2 + lax.axis_index("c")
        d8 = wid // 4
        bq = wid % 4
        d8_off = d8 * _V
        b_off = bq * _BQ
        iv = (iv0, iv1)
        ov = (ov0, ov1)
        sem_i = (si0, si1)
        sem_o = (so0, so1)

        pltpu.sync_copy(tab_hbm, tab_v)

        def ids_slice(t):
            return ids_hbm.at[t, pl.ds(b_off, _BQ)]

        def out_slice(t):
            return out_hbm.at[t, d8, pl.ds(bq * _NT, _NT)]

        def compute(b):
            iv_b, ov_b = iv[b], ov[b]

            def t_body(btile, carry):
                ib = btile * 128
                bases = [iv_b[pl.ds(ib + gm * 16, 16)] + d8_off
                         for gm in range(8)]
                prev = None
                for d1 in range(8):
                    tab_d1 = tab_v.at[pl.ds(d1 * 8 * _V, 8 * _V)]
                    cur = []
                    for gm in range(8):
                        cur.append(plsc.load_gather(tab_d1, [bases[gm]]))
                        if prev is not None:
                            ov_b[btile, d1 - 1, pl.ds(gm * 16, 16)] = prev[gm]
                    prev = cur
                for gm in range(8):
                    ov_b[btile, 7, pl.ds(gm * 16, 16)] = prev[gm]
                return carry

            lax.fori_loop(0, _NT, t_body, 0)

        pltpu.async_copy(ids_slice(0), iv[0], sem_i[0])

        def body(t2, carry):
            for b in (0, 1):
                t = 2 * t2 + b
                b1 = 1 - b
                pltpu.make_async_copy(ids_slice(t), iv[b], sem_i[b]).wait()

                if b == 0:
                    pltpu.async_copy(ids_slice(t + 1), iv[b1], sem_i[b1])
                else:
                    @pl.when(t2 < _T // 2 - 1)
                    def _():
                        pltpu.async_copy(ids_slice(t + 1), iv[b1], sem_i[b1])

                @pl.when(t2 >= 1)
                def _():
                    pltpu.make_async_copy(ov[b], out_slice(t), sem_o[b]).wait()

                compute(b)
                pltpu.async_copy(ov[b], out_slice(t), sem_o[b])
            return carry

        lax.fori_loop(0, _T // 2, body, 0)

        pltpu.make_async_copy(ov[0], out_slice(0), sem_o[0]).wait()
        pltpu.make_async_copy(ov[1], out_slice(0), sem_o[1]).wait()

    return k(ids_t, tab_x)


def kernel(input_ids, embed_table):
    ids_t = input_ids.T.astype(jnp.int32)
    tab_x = (embed_table.reshape(_V, 8, 8).transpose(2, 1, 0)
             .reshape(_V * _D))
    out5 = _sc_embedding_gather(ids_t, tab_x)
    return out5.transpose(2, 4, 0, 1, 3).reshape(_B, _T, _D)

# --- scband reference (transcript-rebuilt; emitter-appended) ---
"""Pipeline reference for scband-mock-model-49100066128198 (READ-ONLY COPY).

The authoritative reference and input builder live on the scoring server;
editing this copy changes nothing except your own understanding.
"""

import jax, jax.numpy as jnp
import numpy as np


def setup_inputs(seed: int = 0) -> dict:
    key = jax.random.key(seed)
    k_idx, k_tab = jax.random.split(key)
    input_ids = jax.random.randint(k_idx, (16384, 200), 0, 100, dtype=jnp.int64 if jax.config.jax_enable_x64 else jnp.int32)
    embed_table = jax.random.normal(k_tab, (100, 64), dtype=jnp.float32)
    return {"input_ids": input_ids, "embed_table": embed_table}


def reference(input_ids, embed_table):
    # Faithful translation of torch.nn.Embedding lookup: hidden = embed(input_ids)
    hidden = jnp.take(embed_table, input_ids, axis=0)
    return hidden

if __name__ == "__main__":
    import jax
    _d = setup_inputs()
    print(jax.jit(kernel)(*tuple(_d.values())))

</pallas_src>

<mosaic_0001>
#map = affine_map<(d0, d1) -> (0, 0)>
#map1 = affine_map<(d0, d1) -> (0)>
#map2 = affine_map<(d0, d1) -> (0, 0, 0, 0, 0)>
module attributes {stable_mosaic.version = 14 : i64} {
  func.func @k(%arg0: i32, %arg1: i32, %arg2: memref<200x16384xi32, #tpu.memory_space<hbm>>, %arg3: memref<6400xf32, #tpu.memory_space<hbm>>, %arg4: memref<200x8x128x8x128xf32, #tpu.memory_space<hbm>>, %arg5: memref<6400xf32, #tpu.memory_space<vmem>>, %arg6: memref<4096xi32, #tpu.memory_space<vmem>>, %arg7: memref<4096xi32, #tpu.memory_space<vmem>>, %arg8: memref<32x8x128xf32, #tpu.memory_space<vmem>>, %arg9: memref<32x8x128xf32, #tpu.memory_space<vmem>>, %arg10: memref<!tpu.dma_semaphore, #tpu.memory_space<semaphore_mem>>, %arg11: memref<!tpu.dma_semaphore, #tpu.memory_space<semaphore_mem>>, %arg12: memref<!tpu.dma_semaphore, #tpu.memory_space<semaphore_mem>>, %arg13: memref<!tpu.dma_semaphore, #tpu.memory_space<semaphore_mem>>) attributes {dimension_semantics = [#tpu.dimension_semantics<core_parallel>, #tpu.dimension_semantics<subcore_parallel>], iteration_bounds = array<i64: 2, 16>, scalar_prefetch = 0 : i64, scratch_operands = 9 : i64, tpu.core_type = #tpu.core_type<sc_vector_subcore>, window_params = [{transform_indices = #map}, {transform_indices = #map1}, {transform_indices = #map2}]} {
    %mul3A = arith.constant 2 : i32
    %mul3A_0 = arith.muli %arg1, %mul3A : i32
    %add3A = arith.addi %mul3A_0, %arg0 : i32
    %jit3A = arith.constant 4 : i32
    %div3A = arith.divsi %add3A, %jit3A : i32
    %sign3A = arith.constant 0 : i32
    %sign3A_1 = arith.cmpi sgt, %add3A, %sign3A : i32
    %sign3A_2 = arith.extui %sign3A_1 : i1 to i32
    %sign3A_3 = arith.constant 0 : i32
    %sign3A_4 = arith.cmpi slt, %add3A, %sign3A_3 : i32
    %sign3A_5 = arith.extui %sign3A_4 : i1 to i32
    %sign3A_6 = arith.subi %sign3A_2, %sign3A_5 : i32
    %sign3A_7 = arith.constant 0 : i32
    %sign3A_8 = arith.cmpi sgt, %jit3A, %sign3A_7 : i32
    %sign3A_9 = arith.extui %sign3A_8 : i1 to i32
    %sign3A_10 = arith.constant 0 : i32
    %sign3A_11 = arith.cmpi slt, %jit3A, %sign3A_10 : i32
    %sign3A_12 = arith.extui %sign3A_11 : i1 to i32
    %sign3A_13 = arith.subi %sign3A_9, %sign3A_12 : i32
    %ne3A = arith.cmpi ne, %sign3A_6, %sign3A_13 : i32
    %rem3A = arith.remsi %add3A, %jit3A : i32
    %ne3A_14 = arith.constant 0 : i32
    %ne3A_15 = arith.cmpi ne, %rem3A, %ne3A_14 : i32
    %and3A = arith.andi %ne3A, %ne3A_15 : i1
    %sub3A = arith.constant 1 : i32
    %sub3A_16 = arith.subi %div3A, %sub3A : i32
    %select_n3A = arith.select %and3A, %sub3A_16, %div3A : i32
    %jit3A_17 = arith.constant 4 : i32
    %eq3A = arith.constant 0 : i32
    %eq3A_18 = arith.cmpi eq, %jit3A_17, %eq3A : i32
    %jit3A_19 = arith.constant 1 : i32
    %select_n3A_20 = arith.select %eq3A_18, %jit3A_19, %jit3A_17 : i32
    %rem3A_21 = arith.remsi %add3A, %select_n3A_20 : i32
    %ne3A_22 = arith.constant 0 : i32
    %ne3A_23 = arith.cmpi ne, %rem3A_21, %ne3A_22 : i32
    %lt3A = arith.constant 0 : i32
    %lt3A_24 = arith.cmpi slt, %rem3A_21, %lt3A : i32
    %lt3A_25 = arith.constant 0 : i32
    %lt3A_26 = arith.cmpi slt, %select_n3A_20, %lt3A_25 : i32
    %ne3A_27 = arith.xori %lt3A_24, %lt3A_26 : i1
    %and3A_28 = arith.andi %ne3A_27, %ne3A_23 : i1
    %add3A_29 = arith.addi %rem3A_21, %select_n3A_20 : i32
    %select_n3A_30 = arith.select %and3A_28, %add3A_29, %rem3A_21 : i32
    %mul3A_31 = arith.constant 100 : i32
    %mul3A_32 = arith.muli %select_n3A, %mul3A_31 : i32
    %mul3A_33 = arith.constant 4096 : i32
    %mul3A_34 = arith.muli %select_n3A_30, %mul3A_33 : i32
    "tpu.region"() ({
      %run_scoped3A = tpu.sem_alloc : memref<!tpu.dma_semaphore, #tpu.memory_space<semaphore_mem>>
      tpu.enqueue_dma source(%arg3 : memref<6400xf32, #tpu.memory_space<hbm>>) target(%arg5 : memref<6400xf32, #tpu.memory_space<vmem>>) target_semaphore(%run_scoped3A : memref<!tpu.dma_semaphore, #tpu.memory_space<semaphore_mem>>)
      tpu.wait_dma2 semaphore(%run_scoped3A : memref<!tpu.dma_semaphore, #tpu.memory_space<semaphore_mem>>) src(%arg3 : memref<6400xf32, #tpu.memory_space<hbm>>) dst(%arg5 : memref<6400xf32, #tpu.memory_space<vmem>>)
      tpu.yield
    }) : () -> ()
    %dma_start3A = arith.constant 0 : i32
    %dma_start3A_35 = tpu.memref_slice %arg2[%dma_start3A, %mul3A_34] : memref<200x16384xi32, #tpu.memory_space<hbm>> -> memref<1x4096xi32, #tpu.memory_space<hbm>>
    %dma_start3A_36 = tpu.memref_squeeze %dma_start3A_35 : memref<1x4096xi32, #tpu.memory_space<hbm>> -> memref<4096xi32, #tpu.memory_space<hbm>>
    %dma_start3A_37 = tpu.memref_slice %arg2[%dma_start3A, %mul3A_34] : memref<200x16384xi32, #tpu.memory_space<hbm>> -> memref<1x4096xi32, #tpu.memory_space<hbm>>
    %dma_start3A_38 = tpu.memref_squeeze %dma_start3A_37 : memref<1x4096xi32, #tpu.memory_space<hbm>> -> memref<4096xi32, #tpu.memory_space<hbm>>
    tpu.enqueue_dma source(%dma_start3A_38 : memref<4096xi32, #tpu.memory_space<hbm>>) target(%arg6 : memref<4096xi32, #tpu.memory_space<vmem>>) target_semaphore(%arg10 : memref<!tpu.dma_semaphore, #tpu.memory_space<semaphore_mem>>)
    %scan3A = arith.constant 0 : i32
    %scan3A_39 = arith.constant 0 : i32
    %scan3A_40 = arith.constant 100 : i32
    %scan3A_41 = arith.addi %scan3A_39, %scan3A_40 : i32
    %scan3A_42 = arith.constant 1 : i32
    scf.for %scan3A_65 = %scan3A_39 to %scan3A_41 step %scan3A_42  : i32 {
      %mul3A_66 = arith.constant 2 : i32
      %mul3A_67 = arith.muli %mul3A_66, %scan3A_65 : i32
      %add3A_68 = arith.constant 0 : i32
      %add3A_69 = arith.addi %mul3A_67, %add3A_68 : i32
      %dma_wait3A_70 = tpu.memref_slice %arg2[%add3A_69, %mul3A_34] : memref<200x16384xi32, #tpu.memory_space<hbm>> -> memref<1x4096xi32, #tpu.memory_space<hbm>>
      %dma_wait3A_71 = tpu.memref_squeeze %dma_wait3A_70 : memref<1x4096xi32, #tpu.memory_space<hbm>> -> memref<4096xi32, #tpu.memory_space<hbm>>
      %dma_wait3A_72 = tpu.memref_slice %arg2[%add3A_69, %mul3A_34] : memref<200x16384xi32, #tpu.memory_space<hbm>> -> memref<1x4096xi32, #tpu.memory_space<hbm>>
      %dma_wait3A_73 = tpu.memref_squeeze %dma_wait3A_72 : memref<1x4096xi32, #tpu.memory_space<hbm>> -> memref<4096xi32, #tpu.memory_space<hbm>>
      tpu.wait_dma2 semaphore(%arg10 : memref<!tpu.dma_semaphore, #tpu.memory_space<semaphore_mem>>) src(%dma_wait3A_73 : memref<4096xi32, #tpu.memory_space<hbm>>) dst(%arg6 : memref<4096xi32, #tpu.memory_space<vmem>>)
      %add3A_74 = arith.constant 1 : i32
      %add3A_75 = arith.addi %add3A_69, %add3A_74 : i32
      %dma_start3A_76 = tpu.memref_slice %arg2[%add3A_75, %mul3A_34] : memref<200x16384xi32, #tpu.memory_space<hbm>> -> memref<1x4096xi32, #tpu.memory_space<hbm>>
      %dma_start3A_77 = tpu.memref_squeeze %dma_start3A_76 : memref<1x4096xi32, #tpu.memory_space<hbm>> -> memref<4096xi32, #tpu.memory_space<hbm>>
      %dma_start3A_78 = tpu.memref_slice %arg2[%add3A_75, %mul3A_34] : memref<200x16384xi32, #tpu.memory_space<hbm>> -> memref<1x4096xi32, #tpu.memory_space<hbm>>
      %dma_start3A_79 = tpu.memref_squeeze %dma_start3A_78 : memref<1x4096xi32, #tpu.memory_space<hbm>> -> memref<4096xi32, #tpu.memory_space<hbm>>
      tpu.enqueue_dma source(%dma_start3A_79 : memref<4096xi32, #tpu.memory_space<hbm>>) target(%arg7 : memref<4096xi32, #tpu.memory_space<vmem>>) target_semaphore(%arg11 : memref<!tpu.dma_semaphore, #tpu.memory_space<semaphore_mem>>)
      %ge3A = arith.constant 1 : i32
      %ge3A_80 = arith.cmpi sge, %scan3A_65, %ge3A : i32
      %convert_element_type3A = arith.extui %ge3A_80 : i1 to i32
      %cond3A = arith.constant 0 : i32
      %cond3A_81 = arith.cmpi ne, %convert_element_type3A, %cond3A : i32
      scf.if %cond3A_81 {
        %mul3A_132 = arith.constant 32 : i32
        %mul3A_133 = arith.muli %select_n3A_30, %mul3A_132 : i32
        %dma_wait3A_134 = arith.constant 0 : i32
        %dma_wait3A_135 = arith.constant 0 : i32
        %dma_wait3A_136 = tpu.memref_slice %arg4[%add3A_69, %select_n3A, %mul3A_133, %dma_wait3A_134, %dma_wait3A_135] : memref<200x8x128x8x128xf32, #tpu.memory_space<hbm>> -> memref<1x1x32x8x128xf32, #tpu.memory_space<hbm>>
        %dma_wait3A_137 = tpu.memref_squeeze %dma_wait3A_136 : memref<1x1x32x8x128xf32, #tpu.memory_space<hbm>> -> memref<32x8x128xf32, #tpu.memory_space<hbm>>
        %dma_wait3A_138 = arith.constant 0 : i32
        %dma_wait3A_139 = arith.constant 0 : i32
        %dma_wait3A_140 = tpu.memref_slice %arg4[%add3A_69, %select_n3A, %mul3A_133, %dma_wait3A_138, %dma_wait3A_139] : memref<200x8x128x8x128xf32, #tpu.memory_space<hbm>> -> memref<1x1x32x8x128xf32, #tpu.memory_space<hbm>>
        %dma_wait3A_141 = tpu.memref_squeeze %dma_wait3A_140 : memref<1x1x32x8x128xf32, #tpu.memory_space<hbm>> -> memref<32x8x128xf32, #tpu.memory_space<hbm>>
        tpu.wait_dma2 semaphore(%arg12 : memref<!tpu.dma_semaphore, #tpu.memory_space<semaphore_mem>>) src(%arg8 : memref<32x8x128xf32, #tpu.memory_space<vmem>>) dst(%dma_wait3A_141 : memref<32x8x128xf32, #tpu.memory_space<hbm>>)
      } else {
      }
      %scan3A_82 = arith.constant 0 : i32
      %scan3A_83 = arith.constant 0 : i32
      %scan3A_84 = arith.constant 32 : i32
      %scan3A_85 = arith.addi %scan3A_83, %scan3A_84 : i32
      %scan3A_86 = arith.constant 1 : i32
      scf.for %scan3A_132 = %scan3A_83 to %scan3A_85 step %scan3A_86  : i32 {
        %mul3A_133 = arith.constant 128 : i32
        %mul3A_134 = arith.muli %scan3A_132, %mul3A_133 : i32
        %add3A_135 = arith.constant 0 : i32
        %add3A_136 = arith.addi %mul3A_134, %add3A_135 : i32
        %get3A = arith.index_cast %add3A_136 : i32 to index
        %get3A_137 = tpu.vector_load %arg6[%get3A] {strides = array<i32>} : memref<4096xi32, #tpu.memory_space<vmem>>, vector<16xi32>,
        %add3A_138 = vector.broadcast %mul3A_32 : i32 to vector<16xi32>
        %add3A_139 = arith.addi %get3A_137, %add3A_138 : vector<16xi32>
        %add3A_140 = arith.constant 16 : i32
        %add3A_141 = arith.addi %mul3A_134, %add3A_140 : i32
        %get3A_142 = arith.index_cast %add3A_141 : i32 to index
        %get3A_143 = tpu.vector_load %arg6[%get3A_142] {strides = array<i32>} : memref<4096xi32, #tpu.memory_space<vmem>>, vector<16xi32>,
        %add3A_144 = vector.broadcast %mul3A_32 : i32 to vector<16xi32>
        %add3A_145 = arith.addi %get3A_143, %add3A_144 : vector<16xi32>
        %add3A_146 = arith.constant 32 : i32
        %add3A_147 = arith.addi %mul3A_134, %add3A_146 : i32
        %get3A_148 = arith.index_cast %add3A_147 : i32 to index
        %get3A_149 = tpu.vector_load %arg6[%get3A_148] {strides = array<i32>} : memref<4096xi32, #tpu.memory_space<vmem>>, vector<16xi32>,
        %add3A_150 = vector.broadcast %mul3A_32 : i32 to vector<16xi32>
        %add3A_151 = arith.addi %get3A_149, %add3A_150 : vector<16xi32>
        %add3A_152 = arith.constant 48 : i32
        %add3A_153 = arith.addi %mul3A_134, %add3A_152 : i32
        %get3A_154 = arith.index_cast %add3A_153 : i32 to index
        %get3A_155 = tpu.vector_load %arg6[%get3A_154] {strides = array<i32>} : memref<4096xi32, #tpu.memory_space<vmem>>, vector<16xi32>,
        %add3A_156 = vector.broadcast %mul3A_32 : i32 to vector<16xi32>
        %add3A_157 = arith.addi %get3A_155, %add3A_156 : vector<16xi32>
        %add3A_158 = arith.constant 64 : i32
        %add3A_159 = arith.addi %mul3A_134, %add3A_158 : i32
        %get3A_160 = arith.index_cast %add3A_159 : i32 to index
        %get3A_161 = tpu.vector_load %arg6[%get3A_160] {strides = array<i32>} : memref<4096xi32, #tpu.memory_space<vmem>>, vector<16xi32>,
        %add3A_162 = vector.broadcast %mul3A_32 : i32 to vector<16xi32>
        %add3A_163 = arith.addi %get3A_161, %add3A_162 : vector<16xi32>
        %add3A_164 = arith.constant 80 : i32
        %add3A_165 = arith.addi %mul3A_134, %add3A_164 : i32
        %get3A_166 = arith.index_cast %add3A_165 : i32 to index
        %get3A_167 = tpu.vector_load %arg6[%get3A_166] {strides = array<i32>} : memref<4096xi32, #tpu.memory_space<vmem>>, vector<16xi32>,
        %add3A_168 = vector.broadcast %mul3A_32 : i32 to vector<16xi32>
        %add3A_169 = arith.addi %get3A_167, %add3A_168 : vector<16xi32>
        %add3A_170 = arith.constant 96 : i32
        %add3A_171 = arith.addi %mul3A_134, %add3A_170 : i32
        %get3A_172 = arith.index_cast %add3A_171 : i32 to index
        %get3A_173 = tpu.vector_load %arg6[%get3A_172] {strides = array<i32>} : memref<4096xi32, #tpu.memory_space<vmem>>, vector<16xi32>,
        %add3A_174 = vector.broadcast %mul3A_32 : i32 to vector<16xi32>
        %add3A_175 = arith.addi %get3A_173, %add3A_174 : vector<16xi32>
        %add3A_176 = arith.constant 112 : i32
        %add3A_177 = arith.addi %mul3A_134, %add3A_176 : i32
        %get3A_178 = arith.index_cast %add3A_177 : i32 to index
        %get3A_179 = tpu.vector_load %arg6[%get3A_178] {strides = array<i32>} : memref<4096xi32, #tpu.memory_space<vmem>>, vector<16xi32>,
        %add3A_180 = vector.broadcast %mul3A_32 : i32 to vector<16xi32>
        %add3A_181 = arith.addi %get3A_179, %add3A_180 : vector<16xi32>
        %gather3A = arith.constant 0 : i32
        %gather3A_182 = tpu.memref_slice %arg5[%gather3A] : memref<6400xf32, #tpu.memory_space<vmem>> -> memref<800xf32, #tpu.memory_space<vmem>>
        %gather3A_183 = tpu.vector_load_idx %gather3A_182[%add3A_139] : memref<800xf32, #tpu.memory_space<vmem>>[vector<16xi32>], vector<16xf32>,
        %gather3A_184 = arith.constant 0 : i32
        %gather3A_185 = tpu.memref_slice %arg5[%gather3A_184] : memref<6400xf32, #tpu.memory_space<vmem>> -> memref<800xf32, #tpu.memory_space<vmem>>
        %gather3A_186 = tpu.vector_load_idx %gather3A_185[%add3A_145] : memref<800xf32, #tpu.memory_space<vmem>>[vector<16xi32>], vector<16xf32>,
        %gather3A_187 = arith.constant 0 : i32
        %gather3A_188 = tpu.memref_slice %arg5[%gather3A_187] : memref<6400xf32, #tpu.memory_space<vmem>> -> memref<800xf32, #tpu.memory_space<vmem>>
        %gather3A_189 = tpu.vector_load_idx %gather3A_188[%add3A_151] : memref<800xf32, #tpu.memory_space<vmem>>[vector<16xi32>], vector<16xf32>,
        %gather3A_190 = arith.constant 0 : i32
        %gather3A_191 = tpu.memref_slice %arg5[%gather3A_190] : memref<6400xf32, #tpu.memory_space<vmem>> -> memref<800xf32, #tpu.memory_space<vmem>>
        %gather3A_192 = tpu.vector_load_idx %gather3A_191[%add3A_157] : memref<800xf32, #tpu.memory_space<vmem>>[vector<16xi32>], vector<16xf32>,
        %gather3A_193 = arith.constant 0 : i32
        %gather3A_194 = tpu.memref_slice %arg5[%gather3A_193] : memref<6400xf32, #tpu.memory_space<vmem>> -> memref<800xf32, #tpu.memory_space<vmem>>
        %gather3A_195 = tpu.vector_load_idx %gather3A_194[%add3A_163] : memref<800xf32, #tpu.memory_space<vmem>>[vector<16xi32>], vector<16xf32>,
        %gather3A_196 = arith.constant 0 : i32
        %gather3A_197 = tpu.memref_slice %arg5[%gather3A_196] : memref<6400xf32, #tpu.memory_space<vmem>> -> memref<800xf32, #tpu.memory_space<vmem>>
        %gather3A_198 = tpu.vector_load_idx %gather3A_197[%add3A_169] : memref<800xf32, #tpu.memory_space<vmem>>[vector<16xi32>], vector<16xf32>,
        %gather3A_199 = arith.constant 0 : i32
        %gather3A_200 = tpu.memref_slice %arg5[%gather3A_199] : memref<6400xf32, #tpu.memory_space<vmem>> -> memref<800xf32, #tpu.memory_space<vmem>>
        %gather3A_201 = tpu.vector_load_idx %gather3A_200[%add3A_175] : memref<800xf32, #tpu.memory_space<vmem>>[vector<16xi32>], vector<16xf32>,
        %gather3A_202 = arith.constant 0 : i32
        %gather3A_203 = tpu.memref_slice %arg5[%gather3A_202] : memref<6400xf32, #tpu.memory_space<vmem>> -> memref<800xf32, #tpu.memory_space<vmem>>
        %gather3A_204 = tpu.vector_load_idx %gather3A_203[%add3A_181] : memref<800xf32, #tpu.memory_space<vmem>>[vector<16xi32>], vector<16xf32>,
        %gather3A_205 = arith.constant 800 : i32
        %gather3A_206 = tpu.memref_slice %arg5[%gather3A_205] : memref<6400xf32, #tpu.memory_space<vmem>> -> memref<800xf32, #tpu.memory_space<vmem>>
        %gather3A_207 = tpu.vector_load_idx %gather3A_206[%add3A_139] : memref<800xf32, #tpu.memory_space<vmem>>[vector<16xi32>], vector<16xf32>,
        %swap3A = arith.constant 0 : i32
        %swap3A_208 = arith.index_cast %scan3A_132 : i32 to index
        %swap3A_209 = arith.index_cast %swap3A : i32 to index
        %swap3A_210 = arith.constant 0 : index
        %swap3A_211 = tpu.vector_load %arg8[%swap3A_208, %swap3A_209, %swap3A_210] {strides = array<i32>} : memref<32x8x128xf32, #tpu.memory_space<vmem>>, vector<16xf32>,
        tpu.vector_store %arg8[%swap3A_208, %swap3A_209, %swap3A_210], %gather3A_183 {strides = array<i32>} : memref<32x8x128xf32, #tpu.memory_space<vmem>>, vector<16xf32>,
        %gather3A_212 = arith.constant 800 : i32
        %gather3A_213 = tpu.memref_slice %arg5[%gather3A_212] : memref<6400xf32, #tpu.memory_space<vmem>> -> memref<800xf32, #tpu.memory_space<vmem>>
        %gather3A_214 = tpu.vector_load_idx %gather3A_213[%add3A_145] : memref<800xf32, #tpu.memory_space<vmem>>[vector<16xi32>], vector<16xf32>,
        %swap3A_215 = arith.constant 0 : i32
        %swap3A_216 = arith.index_cast %scan3A_132 : i32 to index
        %swap3A_217 = arith.index_cast %swap3A_215 : i32 to index
        %swap3A_218 = arith.constant 16 : index
        %swap3A_219 = tpu.vector_load %arg8[%swap3A_216, %swap3A_217, %swap3A_218] {strides = array<i32>} : memref<32x8x128xf32, #tpu.memory_space<vmem>>, vector<16xf32>,
        tpu.vector_store %arg8[%swap3A_216, %swap3A_217, %swap3A_218], %gather3A_186 {strides = array<i32>} : memref<32x8x128xf32, #tpu.memory_space<vmem>>, vector<16xf32>,
        %gather3A_220 = arith.constant 800 : i32
        %gather3A_221 = tpu.memref_slice %arg5[%gather3A_220] : memref<6400xf32, #tpu.memory_space<vmem>> -> memref<800xf32, #tpu.memory_space<vmem>>
        %gather3A_222 = tpu.vector_load_idx %gather3A_221[%add3A_151] : memref<800xf32, #tpu.memory_space<vmem>>[vector<16xi32>], vector<16xf32>,
        %swap3A_223 = arith.constant 0 : i32
        %swap3A_224 = arith.index_cast %scan3A_132 : i32 to index
        %swap3A_225 = arith.index_cast %swap3A_223 : i32 to index
        %swap3A_226 = arith.constant 32 : index
        %swap3A_227 = tpu.vector_load %arg8[%swap3A_224, %swap3A_225, %swap3A_226] {strides = array<i32>} : memref<32x8x128xf32, #tpu.memory_space<vmem>>, vector<16xf32>,
        tpu.vector_store %arg8[%swap3A_224, %swap3A_225, %swap3A_226], %gather3A_189 {strides = array<i32>} : memref<32x8x128xf32, #tpu.memory_space<vmem>>, vector<16xf32>,
        %gather3A_228 = arith.constant 800 : i32
        %gather3A_229 = tpu.memref_slice %arg5[%gather3A_228] : memref<6400xf32, #tpu.memory_space<vmem>> -> memref<800xf32, #tpu.memory_space<vmem>>
        %gather3A_230 = tpu.vector_load_idx %gather3A_229[%add3A_157] : memref<800xf32, #tpu.memory_space<vmem>>[vector<16xi32>], vector<16xf32>,
        %swap3A_231 = arith.constant 0 : i32
        %swap3A_232 = arith.index_cast %scan3A_132 : i32 to index
        %swap3A_233 = arith.index_cast %swap3A_231 : i32 to index
        %swap3A_234 = arith.constant 48 : index
        %swap3A_235 = tpu.vector_load %arg8[%swap3A_232, %swap3A_233, %swap3A_234] {strides = array<i32>} : memref<32x8x128xf32, #tpu.memory_space<vmem>>, vector<16xf32>,
        tpu.vector_store %arg8[%swap3A_232, %swap3A_233, %swap3A_234], %gather3A_192 {strides = array<i32>} : memref<32x8x128xf32, #tpu.memory_space<vmem>>, vector<16xf32>,
        %gather3A_236 = arith.constant 800 : i32
        %gather3A_237 = tpu.memref_slice %arg5[%gather3A_236] : memref<6400xf32, #tpu.memory_space<vmem>> -> memref<800xf32, #tpu.memory_space<vmem>>
        %gather3A_238 = tpu.vector_load_idx %gather3A_237[%add3A_163] : memref<800xf32, #tpu.memory_space<vmem>>[vector<16xi32>], vector<16xf32>,
        %swap3A_239 = arith.constant 0 : i32
        %swap3A_240 = arith.index_cast %scan3A_132 : i32 to index
        %swap3A_241 = arith.index_cast %swap3A_239 : i32 to index
        %swap3A_242 = arith.constant 64 : index
        %swap3A_243 = tpu.vector_load %arg8[%swap3A_240, %swap3A_241, %swap3A_242] {strides = array<i32>} : memref<32x8x128xf32, #tpu.memory_space<vmem>>, vector<16xf32>,
        tpu.vector_store %arg8[%swap3A_240, %swap3A_241, %swap3A_242], %gather3A_195 {strides = array<i32>} : memref<32x8x128xf32, #tpu.memory_space<vmem>>, vector<16xf32>,
        %gather3A_244 = arith.constant 800 : i32
        %gather3A_245 = tpu.memref_slice %arg5[%gather3A_244] : memref<6400xf32, #tpu.memory_space<vmem>> -> memref<800xf32, #tpu.memory_space<vmem>>
        %gather3A_246 = tpu.vector_load_idx %gather3A_245[%add3A_169] : memref<800xf32, #tpu.memory_space<vmem>>[vector<16xi32>], vector<16xf32>,
        %swap3A_247 = arith.constant 0 : i32
        %swap3A_248 = arith.index_cast %scan3A_132 : i32 to index
        %swap3A_249 = arith.index_cast %swap3A_247 : i32 to index
        %swap3A_250 = arith.constant 80 : index
        %swap3A_251 = tpu.vector_load %arg8[%swap3A_248, %swap3A_249, %swap3A_250] {strides = array<i32>} : memref<32x8x128xf32, #tpu.memory_space<vmem>>, vector<16xf32>,
        tpu.vector_store %arg8[%swap3A_248, %swap3A_249, %swap3A_250], %gather3A_198 {strides = array<i32>} : memref<32x8x128xf32, #tpu.memory_space<vmem>>, vector<16xf32>,
        %gather3A_252 = arith.constant 800 : i32
        %gather3A_253 = tpu.memref_slice %arg5[%gather3A_252] : memref<6400xf32, #tpu.memory_space<vmem>> -> memref<800xf32, #tpu.memory_space<vmem>>
        %gather3A_254 = tpu.vector_load_idx %gather3A_253[%add3A_175] : memref<800xf32, #tpu.memory_space<vmem>>[vector<16xi32>], vector<16xf32>,
        %swap3A_255 = arith.constant 0 : i32
        %swap3A_256 = arith.index_cast %scan3A_132 : i32 to index
        %swap3A_257 = arith.index_cast %swap3A_255 : i32 to index
        %swap3A_258 = arith.constant 96 : index
        %swap3A_259 = tpu.vector_load %arg8[%swap3A_256, %swap3A_257, %swap3A_258] {strides = array<i32>} : memref<32x8x128xf32, #tpu.memory_space<vmem>>, vector<16xf32>,
        tpu.vector_store %arg8[%swap3A_256, %swap3A_257, %swap3A_258], %gather3A_201 {strides = array<i32>} : memref<32x8x128xf32, #tpu.memory_space<vmem>>, vector<16xf32>,
        %gather3A_260 = arith.constant 800 : i32
        %gather3A_261 = tpu.memref_slice %arg5[%gather3A_260] : memref<6400xf32, #tpu.memory_space<vmem>> -> memref<800xf32, #tpu.memory_space<vmem>>
        %gather3A_262 = tpu.vector_load_idx %gather3A_261[%add3A_181] : memref<800xf32, #tpu.memory_space<vmem>>[vector<16xi32>], vector<16xf32>,
        %swap3A_263 = arith.constant 0 : i32
        %swap3A_264 = arith.index_cast %scan3A_132 : i32 to index
        %swap3A_265 = arith.index_cast %swap3A_263 : i32 to index
        %swap3A_266 = arith.constant 112 : index
        %swap3A_267 = tpu.vector_load %arg8[%swap3A_264, %swap3A_265, %swap3A_266] {strides = array<i32>} : memref<32x8x128xf32, #tpu.memory_space<vmem>>, vector<16xf32>,
        tpu.vector_store %arg8[%swap3A_264, %swap3A_265, %swap3A_266], %gather3A_204 {strides = array<i32>} : memref<32x8x128xf32, #tpu.memory_space<vmem>>, vector<16xf32>,
        %gather3A_268 = arith.constant 1600 : i32
        %gather3A_269 = tpu.memref_slice %arg5[%gather3A_268] : memref<6400xf32, #tpu.memory_space<vmem>> -> memref<800xf32, #tpu.memory_space<vmem>>
        %gather3A_270 = tpu.vector_load_idx %gather3A_269[%add3A_139] : memref<800xf32, #tpu.memory_space<vmem>>[vector<16xi32>], vector<16xf32>,
        %swap3A_271 = arith.constant 1 : i32
        %swap3A_272 = arith.index_cast %scan3A_132 : i32 to index
        %swap3A_273 = arith.index_cast %swap3A_271 : i32 to index
        %swap3A_274 = arith.constant 0 : index
        %swap3A_275 = tpu.vector_load %arg8[%swap3A_272, %swap3A_273, %swap3A_274] {strides = array<i32>} : memref<32x8x128xf32, #tpu.memory_space<vmem>>, vector<16xf32>,
        tpu.vector_store %arg8[%swap3A_272, %swap3A_273, %swap3A_274], %gather3A_207 {strides = array<i32>} : memref<32x8x128xf32, #tpu.memory_space<vmem>>, vector<16xf32>,
        %gather3A_276 = arith.constant 1600 : i32
        %gather3A_277 = tpu.memref_slice %arg5[%gather3A_276] : memref<6400xf32, #tpu.memory_space<vmem>> -> memref<800xf32, #tpu.memory_space<vmem>>
        %gather3A_278 = tpu.vector_load_idx %gather3A_277[%add3A_145] : memref<800xf32, #tpu.memory_space<vmem>>[vector<16xi32>], vector<16xf32>,
        %swap3A_279 = arith.constant 1 : i32
        %swap3A_280 = arith.index_cast %scan3A_132 : i32 to index
        %swap3A_281 = arith.index_cast %swap3A_279 : i32 to index
        %swap3A_282 = arith.constant 16 : index
        %swap3A_283 = tpu.vector_load %arg8[%swap3A_280, %swap3A_281, %swap3A_282] {strides = array<i32>} : memref<32x8x128xf32, #tpu.memory_space<vmem>>, vector<16xf32>,
        tpu.vector_store %arg8[%swap3A_280, %swap3A_281, %swap3A_282], %gather3A_214 {strides = array<i32>} : memref<32x8x128xf32, #tpu.memory_space<vmem>>, vector<16xf32>,
        %gather3A_284 = arith.constant 1600 : i32
        %gather3A_285 = tpu.memref_slice %arg5[%gather3A_284] : memref<6400xf32, #tpu.memory_space<vmem>> -> memref<800xf32, #tpu.memory_space<vmem>>
        %gather3A_286 = tpu.vector_load_idx %gather3A_285[%add3A_151] : memref<800xf32, #tpu.memory_space<vmem>>[vector<16xi32>], vector<16xf32>,
        %swap3A_287 = arith.constant 1 : i32
        %swap3A_288 = arith.index_cast %scan3A_132 : i32 to index
        %swap3A_289 = arith.index_cast %swap3A_287 : i32 to index
        %swap3A_290 = arith.constant 32 : index
        %swap3A_291 = tpu.vector_load %arg8[%swap3A_288, %swap3A_289, %swap3A_290] {strides = array<i32>} : memref<32x8x128xf32, #tpu.memory_space<vmem>>, vector<16xf32>,
        tpu.vector_store %arg8[%swap3A_288, %swap3A_289, %swap3A_290], %gather3A_222 {strides = array<i32>} : memref<32x8x128xf32, #tpu.memory_space<vmem>>, vector<16xf32>,
        %gather3A_292 = arith.constant 1600 : i32
        %gather3A_293 = tpu.memref_slice %arg5[%gather3A_292] : memref<6400xf32, #tpu.memory_space<vmem>> -> memref<800xf32, #tpu.memory_space<vmem>>
        %gather3A_294 = tpu.vector_load_idx %gather3A_293[%add3A_157] : memref<800xf32, #tpu.memory_space<vmem>>[vector<16xi32>], vector<16xf32>,
        %swap3A_295 = arith.constant 1 : i32
        %swap3A_296 = arith.index_cast %scan3A_132 : i32 to index
        %swap3A_297 = arith.index_cast %swap3A_295 : i32 to index
        %swap3A_298 = arith.constant 48 : index
        %swap3A_299 = tpu.vector_load %arg8[%swap3A_296, %swap3A_297, %swap3A_298] {strides = array<i32>} : memref<32x8x128xf32, #tpu.memory_space<vmem>>, vector<16xf32>,
        tpu.vector_store %arg8[%swap3A_296, %swap3A_297, %swap3A_298], %gather3A_230 {strides = array<i32>} : memref<32x8x128xf32, #tpu.memory_space<vmem>>, vector<16xf32>,
        %gather3A_300 = arith.constant 1600 : i32
        %gather3A_301 = tpu.memref_slice %arg5[%gather3A_300] : memref<6400xf32, #tpu.memory_space<vmem>> -> memref<800xf32, #tpu.memory_space<vmem>>
        %gather3A_302 = tpu.vector_load_idx %gather3A_301[%add3A_163] : memref<800xf32, #tpu.memory_space<vmem>>[vector<16xi32>], vector<16xf32>,
        %swap3A_303 = arith.constant 1 : i32
        %swap3A_304 = arith.index_cast %scan3A_132 : i32 to index
        %swap3A_305 = arith.index_cast %swap3A_303 : i32 to index
        %swap3A_306 = arith.constant 64 : index
        %swap3A_307 = tpu.vector_load %arg8[%swap3A_304, %swap3A_305, %swap3A_306] {strides = array<i32>} : memref<32x8x128xf32, #tpu.memory_space<vmem>>, vector<16xf32>,
        tpu.vector_store %arg8[%swap3A_304, %swap3A_305, %swap3A_306], %gather3A_238 {strides = array<i32>} : memref<32x8x128xf32, #tpu.memory_space<vmem>>, vector<16xf32>,
        %gather3A_308 = arith.constant 1600 : i32
        %gather3A_309 = tpu.memref_slice %arg5[%gather3A_308] : memref<6400xf32, #tpu.memory_space<vmem>> -> memref<800xf32, #tpu.memory_space<vmem>>
        %gather3A_310 = tpu.vector_load_idx %gather3A_309[%add3A_169] : memref<800xf32, #tpu.memory_space<vmem>>[vector<16xi32>], vector<16xf32>,
        %swap3A_311 = arith.constant 1 : i32
        %swap3A_312 = arith.index_cast %scan3A_132 : i32 to index
        %swap3A_313 = arith.index_cast %swap3A_311 : i32 to index
        %swap3A_314 = arith.constant 80 : index
        %swap3A_315 = tpu.vector_load %arg8[%swap3A_312, %swap3A_313, %swap3A_314] {strides = array<i32>} : memref<32x8x128xf32, #tpu.memory_space<vmem>>, vector<16xf32>,
        tpu.vector_store %arg8[%swap3A_312, %swap3A_313, %swap3A_314], %gather3A_246 {strides = array<i32>} : memref<32x8x128xf32, #tpu.memory_space<vmem>>, vector<16xf32>,
        %gather3A_316 = arith.constant 1600 : i32
        %gather3A_317 = tpu.memref_slice %arg5[%gather3A_316] : memref<6400xf32, #tpu.memory_space<vmem>> -> memref<800xf32, #tpu.memory_space<vmem>>
        %gather3A_318 = tpu.vector_load_idx %gather3A_317[%add3A_175] : memref<800xf32, #tpu.memory_space<vmem>>[vector<16xi32>], vector<16xf32>,
        %swap3A_319 = arith.constant 1 : i32
        %swap3A_320 = arith.index_cast %scan3A_132 : i32 to index
        %swap3A_321 = arith.index_cast %swap3A_319 : i32 to index
        %swap3A_322 = arith.constant 96 : index
        %swap3A_323 = tpu.vector_load %arg8[%swap3A_320, %swap3A_321, %swap3A_322] {strides = array<i32>} : memref<32x8x128xf32, #tpu.memory_space<vmem>>, vector<16xf32>,
        tpu.vector_store %arg8[%swap3A_320, %swap3A_321, %swap3A_322], %gather3A_254 {strides = array<i32>} : memref<32x8x128xf32, #tpu.memory_space<vmem>>, vector<16xf32>,
        %gather3A_324 = arith.constant 1600 : i32
        %gather3A_325 = tpu.memref_slice %arg5[%gather3A_324] : memref<6400xf32, #tpu.memory_space<vmem>> -> memref<800xf32, #tpu.memory_space<vmem>>
        %gather3A_326 = tpu.vector_load_idx %gather3A_325[%add3A_181] : memref<800xf32, #tpu.memory_space<vmem>>[vector<16xi32>], vector<16xf32>,
        %swap3A_327 = arith.constant 1 : i32
        %swap3A_328 = arith.index_cast %scan3A_132 : i32 to index
        %swap3A_329 = arith.index_cast %swap3A_327 : i32 to index
        %swap3A_330 = arith.constant 112 : index
        %swap3A_331 = tpu.vector_load %arg8[%swap3A_328, %swap3A_329, %swap3A_330] {strides = array<i32>} : memref<32x8x128xf32, #tpu.memory_space<vmem>>, vector<16xf32>,
        tpu.vector_store %arg8[%swap3A_328, %swap3A_329, %swap3A_330], %gather3A_262 {strides = array<i32>} : memref<32x8x128xf32, #tpu.memory_space<vmem>>, vector<16xf32>,
        %gather3A_332 = arith.constant 2400 : i32
        %gather3A_333 = tpu.memref_slice %arg5[%gather3A_332] : memref<6400xf32, #tpu.memory_space<vmem>> -> memref<800xf32, #tpu.memory_space<vmem>>
        %gather3A_334 = tpu.vector_load_idx %gather3A_333[%add3A_139] : memref<800xf32, #tpu.memory_space<vmem>>[vector<16xi32>], vector<16xf32>,
        %swap3A_335 = arith.constant 2 : i32
        %swap3A_336 = arith.index_cast %scan3A_132 : i32 to index
        %swap3A_337 = arith.index_cast %swap3A_335 : i32 to index
        %swap3A_338 = arith.constant 0 : index
        %swap3A_339 = tpu.vector_load %arg8[%swap3A_336, %swap3A_337, %swap3A_338] {strides = array<i32>} : memref<32x8x128xf32, #tpu.memory_space<vmem>>, vector<16xf32>,
        tpu.vector_store %arg8[%swap3A_336, %swap3A_337, %swap3A_338], %gather3A_270 {strides = array<i32>} : memref<32x8x128xf32, #tpu.memory_space<vmem>>, vector<16xf32>,
        %gather3A_340 = arith.constant 2400 : i32
        %gather3A_341 = tpu.memref_slice %arg5[%gather3A_340] : memref<6400xf32, #tpu.memory_space<vmem>> -> memref<800xf32, #tpu.memory_space<vmem>>
        %gather3A_342 = tpu.vector_load_idx %gather3A_341[%add3A_145] : memref<800xf32, #tpu.memory_space<vmem>>[vector<16xi32>], vector<16xf32>,
        %swap3A_343 = arith.constant 2 : i32
        %swap3A_344 = arith.index_cast %scan3A_132 : i32 to index
        %swap3A_345 = arith.index_cast %swap3A_343 : i32 to index
        %swap3A_346 = arith.constant 16 : index
        %swap3A_347 = tpu.vector_load %arg8[%swap3A_344, %swap3A_345, %swap3A_346] {strides = array<i32>} : memref<32x8x128xf32, #tpu.memory_space<vmem>>, vector<16xf32>,
        tpu.vector_store %arg8[%swap3A_344, %swap3A_345, %swap3A_346], %gather3A_278 {strides = array<i32>} : memref<32x8x128xf32, #tpu.memory_space<vmem>>, vector<16xf32>,
        %gather3A_348 = arith.constant 2400 : i32
        %gather3A_349 = tpu.memref_slice %arg5[%gather3A_348] : memref<6400xf32, #tpu.memory_space<vmem>> -> memref<800xf32, #tpu.memory_space<vmem>>
        %gather3A_350 = tpu.vector_load_idx %gather3A_349[%add3A_151] : memref<800xf32, #tpu.memory_space<vmem>>[vector<16xi32>], vector<16xf32>,
        %swap3A_351 = arith.constant 2 : i32
        %swap3A_352 = arith.index_cast %scan3A_132 : i32 to index
        %swap3A_353 = arith.index_cast %swap3A_351 : i32 to index
        %swap3A_354 = arith.constant 32 : index
        %swap3A_355 = tpu.vector_load %arg8[%swap3A_352, %swap3A_353, %swap3A_354] {strides = array<i32>} : memref<32x8x128xf32, #tpu.memory_space<vmem>>, vector<16xf32>,
        tpu.vector_store %arg8[%swap3A_352, %swap3A_353, %swap3A_354], %gather3A_286 {strides = array<i32>} : memref<32x8x128xf32, #tpu.memory_space<vmem>>, vector<16xf32>,
        %gather3A_356 = arith.constant 2400 : i32
        %gather3A_357 = tpu.memref_slice %arg5[%gather3A_356] : memref<6400xf32, #tpu.memory_space<vmem>> -> memref<800xf32, #tpu.memory_space<vmem>>
        %gather3A_358 = tpu.vector_load_idx %gather3A_357[%add3A_157] : memref<800xf32, #tpu.memory_space<vmem>>[vector<16xi32>], vector<16xf32>,
        %swap3A_359 = arith.constant 2 : i32
        %swap3A_360 = arith.index_cast %scan3A_132 : i32 to index
        %swap3A_361 = arith.index_cast %swap3A_359 : i32 to index
        %swap3A_362 = arith.constant 48 : index
        %swap3A_363 = tpu.vector_load %arg8[%swap3A_360, %swap3A_361, %swap3A_362] {strides = array<i32>} : memref<32x8x128xf32, #tpu.memory_space<vmem>>, vector<16xf32>,
        tpu.vector_store %arg8[%swap3A_360, %swap3A_361, %swap3A_362], %gather3A_294 {strides = array<i32>} : memref<32x8x128xf32, #tpu.memory_space<vmem>>, vector<16xf32>,
        %gather3A_364 = arith.constant 2400 : i32
        %gather3A_365 = tpu.memref_slice %arg5[%gather3A_364] : memref<6400xf32, #tpu.memory_space<vmem>> -> memref<800xf32, #tpu.memory_space<vmem>>
        %gather3A_366 = tpu.vector_load_idx %gather3A_365[%add3A_163] : memref<800xf32, #tpu.memory_space<vmem>>[vector<16xi32>], vector<16xf32>,
        %swap3A_367 = arith.constant 2 : i32
        %swap3A_368 = arith.index_cast %scan3A_132 : i32 to index
        %swap3A_369 = arith.index_cast %swap3A_367 : i32 to index
        %swap3A_370 = arith.constant 64 : index
        %swap3A_371 = tpu.vector_load %arg8[%swap3A_368, %swap3A_369, %swap3A_370] {strides = array<i32>} : memref<32x8x128xf32, #tpu.memory_space<vmem>>, vector<16xf32>,
        tpu.vector_store %arg8[%swap3A_368, %swap3A_369, %swap3A_370], %gather3A_302 {strides = array<i32>} : memref<32x8x128xf32, #tpu.memory_space<vmem>>, vector<16xf32>,
        %gather3A_372 = arith.constant 2400 : i32
        %gather3A_373 = tpu.memref_slice %arg5[%gather3A_372] : memref<6400xf32, #tpu.memory_space<vmem>> -> memref<800xf32, #tpu.memory_space<vmem>>
        %gather3A_374 = tpu.vector_load_idx %gather3A_373[%add3A_169] : memref<800xf32, #tpu.memory_space<vmem>>[vector<16xi32>], vector<16xf32>,
        %swap3A_375 = arith.constant 2 : i32
        %swap3A_376 = arith.index_cast %scan3A_132 : i32 to index
        %swap3A_377 = arith.index_cast %swap3A_375 : i32 to index
        %swap3A_378 = arith.constant 80 : index
        %swap3A_379 = tpu.vector_load %arg8[%swap3A_376, %swap3A_377, %swap3A_378] {strides = array<i32>} : memref<32x8x128xf32, #tpu.memory_space<vmem>>, vector<16xf32>,
        tpu.vector_store %arg8[%swap3A_376, %swap3A_377, %swap3A_378], %gather3A_310 {strides = array<i32>} : memref<32x8x128xf32, #tpu.memory_space<vmem>>, vector<16xf32>,
        %gather3A_380 = arith.constant 2400 : i32
        %gather3A_381 = tpu.memref_slice %arg5[%gather3A_380] : memref<6400xf32, #tpu.memory_space<vmem>> -> memref<800xf32, #tpu.memory_space<vmem>>
        %gather3A_382 = tpu.vector_load_idx %gather3A_381[%add3A_175] : memref<800xf32, #tpu.memory_space<vmem>>[vector<16xi32>], vector<16xf32>,
        %swap3A_383 = arith.constant 2 : i32
        %swap3A_384 = arith.index_cast %scan3A_132 : i32 to index
        %swap3A_385 = arith.index_cast %swap3A_383 : i32 to index
        %swap3A_386 = arith.constant 96 : index
        %swap3A_387 = tpu.vector_load %arg8[%swap3A_384, %swap3A_385, %swap3A_386] {strides = array<i32>} : memref<32x8x128xf32, #tpu.memory_space<vmem>>, vector<16xf32>,
        tpu.vector_store %arg8[%swap3A_384, %swap3A_385, %swap3A_386], %gather3A_318 {strides = array<i32>} : memref<32x8x128xf32, #tpu.memory_space<vmem>>, vector<16xf32>,
        %gather3A_388 = arith.constant 2400 : i32
        %gather3A_389 = tpu.memref_slice %arg5[%gather3A_388] : memref<6400xf32, #tpu.memory_space<vmem>> -> memref<800xf32, #tpu.memory_space<vmem>>
        %gather3A_390 = tpu.vector_load_idx %gather3A_389[%add3A_181] : memref<800xf32, #tpu.memory_space<vmem>>[vector<16xi32>], vector<16xf32>,
        %swap3A_391 = arith.constant 2 : i32
        %swap3A_392 = arith.index_cast %scan3A_132 : i32 to index
        %swap3A_393 = arith.index_cast %swap3A_391 : i32 to index
        %swap3A_394 = arith.constant 112 : index
        %swap3A_395 = tpu.vector_load %arg8[%swap3A_392, %swap3A_393, %swap3A_394] {strides = array<i32>} : memref<32x8x128xf32, #tpu.memory_space<vmem>>, vector<16xf32>,
        tpu.vector_store %arg8[%swap3A_392, %swap3A_393, %swap3A_394], %gather3A_326 {strides = array<i32>} : memref<32x8x128xf32, #tpu.memory_space<vmem>>, vector<16xf32>,
        %gather3A_396 = arith.constant 3200 : i32
        %gather3A_397 = tpu.memref_slice %arg5[%gather3A_396] : memref<6400xf32, #tpu.memory_space<vmem>> -> memref<800xf32, #tpu.memory_space<vmem>>
        %gather3A_398 = tpu.vector_load_idx %gather3A_397[%add3A_139] : memref<800xf32, #tpu.memory_space<vmem>>[vector<16xi32>], vector<16xf32>,
        %swap3A_399 = arith.constant 3 : i32
        %swap3A_400 = arith.index_cast %scan3A_132 : i32 to index
        %swap3A_401 = arith.index_cast %swap3A_399 : i32 to index
        %swap3A_402 = arith.constant 0 : index
        %swap3A_403 = tpu.vector_load %arg8[%swap3A_400, %swap3A_401, %swap3A_402] {strides = array<i32>} : memref<32x8x128xf32, #tpu.memory_space<vmem>>, vector<16xf32>,
        tpu.vector_store %arg8[%swap3A_400, %swap3A_401, %swap3A_402], %gather3A_334 {strides = array<i32>} : memref<32x8x128xf32, #tpu.memory_space<vmem>>, vector<16xf32>,
        %gather3A_404 = arith.constant 3200 : i32
        %gather3A_405 = tpu.memref_slice %arg5[%gather3A_404] : memref<6400xf32, #tpu.memory_space<vmem>> -> memref<800xf32, #tpu.memory_space<vmem>>
        %gather3A_406 = tpu.vector_load_idx %gather3A_405[%add3A_145] : memref<800xf32, #tpu.memory_space<vmem>>[vector<16xi32>], vector<16xf32>,
        %swap3A_407 = arith.constant 3 : i32
        %swap3A_408 = arith.index_cast %scan3A_132 : i32 to index
        %swap3A_409 = arith.index_cast %swap3A_407 : i32 to index
        %swap3A_410 = arith.constant 16 : index
        %swap3A_411 = tpu.vector_load %arg8[%swap3A_408, %swap3A_409, %swap3A_410] {strides = array<i32>} : memref<32x8x128xf32, #tpu.memory_space<vmem>>, vector<16xf32>,
        tpu.vector_store %arg8[%swap3A_408, %swap3A_409, %swap3A_410], %gather3A_342 {strides = array<i32>} : memref<32x8x128xf32, #tpu.memory_space<vmem>>, vector<16xf32>,
        %gather3A_412 = arith.constant 3200 : i32
        %gather3A_413 = tpu.memref_slice %arg5[%gather3A_412] : memref<6400xf32, #tpu.memory_space<vmem>> -> memref<800xf32, #tpu.memory_space<vmem>>
        %gather3A_414 = tpu.vector_load_idx %gather3A_413[%add3A_151] : memref<800xf32, #tpu.memory_space<vmem>>[vector<16xi32>], vector<16xf32>,
        %swap3A_415 = arith.constant 3 : i32
        %swap3A_416 = arith.index_cast %scan3A_132 : i32 to index
        %swap3A_417 = arith.index_cast %swap3A_415 : i32 to index
        %swap3A_418 = arith.constant 32 : index
        %swap3A_419 = tpu.vector_load %arg8[%swap3A_416, %swap3A_417, %swap3A_418] {strides = array<i32>} : memref<32x8x128xf32, #tpu.memory_space<vmem>>, vector<16xf32>,
        tpu.vector_store %arg8[%swap3A_416, %swap3A_417, %swap3A_418], %gather3A_350 {strides = array<i32>} : memref<32x8x128xf32, #tpu.memory_space<vmem>>, vector<16xf32>,
        %gather3A_420 = arith.constant 3200 : i32
        %gather3A_421 = tpu.memref_slice %arg5[%gather3A_420] : memref<6400xf32, #tpu.memory_space<vmem>> -> memref<800xf32, #tpu.memory_space<vmem>>
        %gather3A_422 = tpu.vector_load_idx %gather3A_421[%add3A_157] : memref<800xf32, #tpu.memory_space<vmem>>[vector<16xi32>], vector<16xf32>,
        %swap3A_423 = arith.constant 3 : i32
        %swap3A_424 = arith.index_cast %scan3A_132 : i32 to index
        %swap3A_425 = arith.index_cast %swap3A_423 : i32 to index
        %swap3A_426 = arith.constant 48 : index
        %swap3A_427 = tpu.vector_load %arg8[%swap3A_424, %swap3A_425, %swap3A_426] {strides = array<i32>} : memref<32x8x128xf32, #tpu.memory_space<vmem>>, vector<16xf32>,
        tpu.vector_store %arg8[%swap3A_424, %swap3A_425, %swap3A_426], %gather3A_358 {strides = array<i32>} : memref<32x8x128xf32, #tpu.memory_space<vmem>>, vector<16xf32>,
        %gather3A_428 = arith.constant 3200 : i32
        %gather3A_429 = tpu.memref_slice %arg5[%gather3A_428] : memref<6400xf32, #tpu.memory_space<vmem>> -> memref<800xf32, #tpu.memory_space<vmem>>
        %gather3A_430 = tpu.vector_load_idx %gather3A_429[%add3A_163] : memref<800xf32, #tpu.memory_space<vmem>>[vector<16xi32>], vector<16xf32>,
        %swap3A_431 = arith.constant 3 : i32
        %swap3A_432 = arith.index_cast %scan3A_132 : i32 to index
        %swap3A_433 = arith.index_cast %swap3A_431 : i32 to index
        %swap3A_434 = arith.constant 64 : index
        %swap3A_435 = tpu.vector_load %arg8[%swap3A_432, %swap3A_433, %swap3A_434] {strides = array<i32>} : memref<32x8x128xf32, #tpu.memory_space<vmem>>, vector<16xf32>,
        tpu.vector_store %arg8[%swap3A_432, %swap3A_433, %swap3A_434], %gather3A_366 {strides = array<i32>} : memref<32x8x128xf32, #tpu.memory_space<vmem>>, vector<16xf32>,
        %gather3A_436 = arith.constant 3200 : i32
        %gather3A_437 = tpu.memref_slice %arg5[%gather3A_436] : memref<6400xf32, #tpu.memory_space<vmem>> -> memref<800xf32, #tpu.memory_space<vmem>>
        %gather3A_438 = tpu.vector_load_idx %gather3A_437[%add3A_169] : memref<800xf32, #tpu.memory_space<vmem>>[vector<16xi32>], vector<16xf32>,
        %swap3A_439 = arith.constant 3 : i32
        %swap3A_440 = arith.index_cast %scan3A_132 : i32 to index
        %swap3A_441 = arith.index_cast %swap3A_439 : i32 to index
        %swap3A_442 = arith.constant 80 : index
        %swap3A_443 = tpu.vector_load %arg8[%swap3A_440, %swap3A_441, %swap3A_442] {strides = array<i32>} : memref<32x8x128xf32, #tpu.memory_space<vmem>>, vector<16xf32>,
        tpu.vector_store %arg8[%swap3A_440, %swap3A_441, %swap3A_442], %gather3A_374 {strides = array<i32>} : memref<32x8x128xf32, #tpu.memory_space<vmem>>, vector<16xf32>,
        %gather3A_444 = arith.constant 3200 : i32
        %gather3A_445 = tpu.memref_slice %arg5[%gather3A_444] : memref<6400xf32, #tpu.memory_space<vmem>> -> memref<800xf32, #tpu.memory_space<vmem>>
        %gather3A_446 = tpu.vector_load_idx %gather3A_445[%add3A_175] : memref<800xf32, #tpu.memory_space<vmem>>[vector<16xi32>], vector<16xf32>,
        %swap3A_447 = arith.constant 3 : i32
        %swap3A_448 = arith.index_cast %scan3A_132 : i32 to index
        %swap3A_449 = arith.index_cast %swap3A_447 : i32 to index
        %swap3A_450 = arith.constant 96 : index
        %swap3A_451 = tpu.vector_load %arg8[%swap3A_448, %swap3A_449, %swap3A_450] {strides = array<i32>} : memref<32x8x128xf32, #tpu.memory_space<vmem>>, vector<16xf32>,
        tpu.vector_store %arg8[%swap3A_448, %swap3A_449, %swap3A_450], %gather3A_382 {strides = array<i32>} : memref<32x8x128xf32, #tpu.memory_space<vmem>>, vector<16xf32>,
        %gather3A_452 = arith.constant 3200 : i32
        %gather3A_453 = tpu.memref_slice %arg5[%gather3A_452] : memref<6400xf32, #tpu.memory_space<vmem>> -> memref<800xf32, #tpu.memory_space<vmem>>
        %gather3A_454 = tpu.vector_load_idx %gather3A_453[%add3A_181] : memref<800xf32, #tpu.memory_space<vmem>>[vector<16xi32>], vector<16xf32>,
        %swap3A_455 = arith.constant 3 : i32
        %swap3A_456 = arith.index_cast %scan3A_132 : i32 to index
        %swap3A_457 = arith.index_cast %swap3A_455 : i32 to index
        %swap3A_458 = arith.constant 112 : index
        %swap3A_459 = tpu.vector_load %arg8[%swap3A_456, %swap3A_457, %swap3A_458] {strides = array<i32>} : memref<32x8x128xf32, #tpu.memory_space<vmem>>, vector<16xf32>,
        tpu.vector_store %arg8[%swap3A_456, %swap3A_457, %swap3A_458], %gather3A_390 {strides = array<i32>} : memref<32x8x128xf32, #tpu.memory_space<vmem>>, vector<16xf32>,
        %gather3A_460 = arith.constant 4000 : i32
        %gather3A_461 = tpu.memref_slice %arg5[%gather3A_460] : memref<6400xf32, #tpu.memory_space<vmem>> -> memref<800xf32, #tpu.memory_space<vmem>>
        %gather3A_462 = tpu.vector_load_idx %gather3A_461[%add3A_139] : memref<800xf32, #tpu.memory_space<vmem>>[vector<16xi32>], vector<16xf32>,
        %swap3A_463 = arith.constant 4 : i32
        %swap3A_464 = arith.index_cast %scan3A_132 : i32 to index
        %swap3A_465 = arith.index_cast %swap3A_463 : i32 to index
        %swap3A_466 = arith.constant 0 : index
        %swap3A_467 = tpu.vector_load %arg8[%swap3A_464, %swap3A_465, %swap3A_466] {strides = array<i32>} : memref<32x8x128xf32, #tpu.memory_space<vmem>>, vector<16xf32>,
        tpu.vector_store %arg8[%swap3A_464, %swap3A_465, %swap3A_466], %gather3A_398 {strides = array<i32>} : memref<32x8x128xf32, #tpu.memory_space<vmem>>, vector<16xf32>,
        %gather3A_468 = arith.constant 4000 : i32
        %gather3A_469 = tpu.memref_slice %arg5[%gather3A_468] : memref<6400xf32, #tpu.memory_space<vmem>> -> memref<800xf32, #tpu.memory_space<vmem>>
        %gather3A_470 = tpu.vector_load_idx %gather3A_469[%add3A_145] : memref<800xf32, #tpu.memory_space<vmem>>[vector<16xi32>], vector<16xf32>,
        %swap3A_471 = arith.constant 4 : i32
        %swap3A_472 = arith.index_cast %scan3A_132 : i32 to index
        %swap3A_473 = arith.index_cast %swap3A_471 : i32 to index
        %swap3A_474 = arith.constant 16 : index
        %swap3A_475 = tpu.vector_load %arg8[%swap3A_472, %swap3A_473, %swap3A_474] {strides = array<i32>} : memref<32x8x128xf32, #tpu.memory_space<vmem>>, vector<16xf32>,
        tpu.vector_store %arg8[%swap3A_472, %swap3A_473, %swap3A_474], %gather3A_406 {strides = array<i32>} : memref<32x8x128xf32, #tpu.memory_space<vmem>>, vector<16xf32>,
        %gather3A_476 = arith.constant 4000 : i32
        %gather3A_477 = tpu.memref_slice %arg5[%gather3A_476] : memref<6400xf32, #tpu.memory_space<vmem>> -> memref<800xf32, #tpu.memory_space<vmem>>
        %gather3A_478 = tpu.vector_load_idx %gather3A_477[%add3A_151] : memref<800xf32, #tpu.memory_space<vmem>>[vector<16xi32>], vector<16xf32>,
        %swap3A_479 = arith.constant 4 : i32
        %swap3A_480 = arith.index_cast %scan3A_132 : i32 to index
        %swap3A_481 = arith.index_cast %swap3A_479 : i32 to index
        %swap3A_482 = arith.constant 32 : index
        %swap3A_483 = tpu.vector_load %arg8[%swap3A_480, %swap3A_481, %swap3A_482] {strides = array<i32>} : memref<32x8x128xf32, #tpu.memory_space<vmem>>, vector<16xf32>,
        tpu.vector_store %arg8[%swap3A_480, %swap3A_481, %swap3A_482], %gather3A_414 {strides = array<i32>} : memref<32x8x128xf32, #tpu.memory_space<vmem>>, vector<16xf32>,
        %gather3A_484 = arith.constant 4000 : i32
        %gather3A_485 = tpu.memref_slice %arg5[%gather3A_484] : memref<6400xf32, #tpu.memory_space<vmem>> -> memref<800xf32, #tpu.memory_space<vmem>>
        %gather3A_486 = tpu.vector_load_idx %gather3A_485[%add3A_157] : memref<800xf32, #tpu.memory_space<vmem>>[vector<16xi32>], vector<16xf32>,
        %swap3A_487 = arith.constant 4 : i32
        %swap3A_488 = arith.index_cast %scan3A_132 : i32 to index
        %swap3A_489 = arith.index_cast %swap3A_487 : i32 to index
        %swap3A_490 = arith.constant 48 : index
        %swap3A_491 = tpu.vector_load %arg8[%swap3A_488, %swap3A_489, %swap3A_490] {strides = array<i32>} : memref<32x8x128xf32, #tpu.memory_space<vmem>>, vector<16xf32>,
        tpu.vector_store %arg8[%swap3A_488, %swap3A_489, %swap3A_490], %gather3A_422 {strides = array<i32>} : memref<32x8x128xf32, #tpu.memory_space<vmem>>, vector<16xf32>,
        %gather3A_492 = arith.constant 4000 : i32
        %gather3A_493 = tpu.memref_slice %arg5[%gather3A_492] : memref<6400xf32, #tpu.memory_space<vmem>> -> memref<800xf32, #tpu.memory_space<vmem>>
        %gather3A_494 = tpu.vector_load_idx %gather3A_493[%add3A_163] : memref<800xf32, #tpu.memory_space<vmem>>[vector<16xi32>], vector<16xf32>,
        %swap3A_495 = arith.constant 4 : i32
        %swap3A_496 = arith.index_cast %scan3A_132 : i32 to index
        %swap3A_497 = arith.index_cast %swap3A_495 : i32 to index
        %swap3A_498 = arith.constant 64 : index
        %swap3A_499 = tpu.vector_load %arg8[%swap3A_496, %swap3A_497, %swap3A_498] {strides = array<i32>} : memref<32x8x128xf32, #tpu.memory_space<vmem>>, vector<16xf32>,
        tpu.vector_store %arg8[%swap3A_496, %swap3A_497, %swap3A_498], %gather3A_430 {strides = array<i32>} : memref<32x8x128xf32, #tpu.memory_space<vmem>>, vector<16xf32>,
        %gather3A_500 = arith.constant 4000 : i32
        %gather3A_501 = tpu.memref_slice %arg5[%gather3A_500] : memref<6400xf32, #tpu.memory_space<vmem>> -> memref<800xf32, #tpu.memory_space<vmem>>
        %gather3A_502 = tpu.vector_load_idx %gather3A_501[%add3A_169] : memref<800xf32, #tpu.memory_space<vmem>>[vector<16xi32>], vector<16xf32>,
        %swap3A_503 = arith.constant 4 : i32
        %swap3A_504 = arith.index_cast %scan3A_132 : i32 to index
        %swap3A_505 = arith.index_cast %swap3A_503 : i32 to index
        %swap3A_506 = arith.constant 80 : index
        %swap3A_507 = tpu.vector_load %arg8[%swap3A_504, %swap3A_505, %swap3A_506] {strides = array<i32>} : memref<32x8x128xf32, #tpu.memory_space<vmem>>, vector<16xf32>,
        tpu.vector_store %arg8[%swap3A_504, %swap3A_505, %swap3A_506], %gather3A_438 {strides = array<i32>} : memref<32x8x128xf32, #tpu.memory_space<vmem>>, vector<16xf32>,
        %gather3A_508 = arith.constant 4000 : i32
        %gather3A_509 = tpu.memref_slice %arg5[%gather3A_508] : memref<6400xf32, #tpu.memory_space<vmem>> -> memref<800xf32, #tpu.memory_space<vmem>>
        %gather3A_510 = tpu.vector_load_idx %gather3A_509[%add3A_175] : memref<800xf32, #tpu.memory_space<vmem>>[vector<16xi32>], vector<16xf32>,
        %swap3A_511 = arith.constant 4 : i32
        %swap3A_512 = arith.index_cast %scan3A_132 : i32 to index
        %swap3A_513 = arith.index_cast %swap3A_511 : i32 to index
        %swap3A_514 = arith.constant 96 : index
        %swap3A_515 = tpu.vector_load %arg8[%swap3A_512, %swap3A_513, %swap3A_514] {strides = array<i32>} : memref<32x8x128xf32, #tpu.memory_space<vmem>>, vector<16xf32>,
        tpu.vector_store %arg8[%swap3A_512, %swap3A_513, %swap3A_514], %gather3A_446 {strides = array<i32>} : memref<32x8x128xf32, #tpu.memory_space<vmem>>, vector<16xf32>,
        %gather3A_516 = arith.constant 4000 : i32
        %gather3A_517 = tpu.memref_slice %arg5[%gather3A_516] : memref<6400xf32, #tpu.memory_space<vmem>> -> memref<800xf32, #tpu.memory_space<vmem>>
        %gather3A_518 = tpu.vector_load_idx %gather3A_517[%add3A_181] : memref<800xf32, #tpu.memory_space<vmem>>[vector<16xi32>], vector<16xf32>,
        %swap3A_519 = arith.constant 4 : i32
        %swap3A_520 = arith.index_cast %scan3A_132 : i32 to index
        %swap3A_521 = arith.index_cast %swap3A_519 : i32 to index
        %swap3A_522 = arith.constant 112 : index
        %swap3A_523 = tpu.vector_load %arg8[%swap3A_520, %swap3A_521, %swap3A_522] {strides = array<i32>} : memref<32x8x128xf32, #tpu.memory_space<vmem>>, vector<16xf32>,
        tpu.vector_store %arg8[%swap3A_520, %swap3A_521, %swap3A_522], %gather3A_454 {strides = array<i32>} : memref<32x8x128xf32, #tpu.memory_space<vmem>>, vector<16xf32>,
        %gather3A_524 = arith.constant 4800 : i32
        %gather3A_525 = tpu.memref_slice %arg5[%gather3A_524] : memref<6400xf32, #tpu.memory_space<vmem>> -> memref<800xf32, #tpu.memory_space<vmem>>
        %gather3A_526 = tpu.vector_load_idx %gather3A_525[%add3A_139] : memref<800xf32, #tpu.memory_space<vmem>>[vector<16xi32>], vector<16xf32>,
        %swap3A_527 = arith.constant 5 : i32
        %swap3A_528 = arith.index_cast %scan3A_132 : i32 to index
        %swap3A_529 = arith.index_cast %swap3A_527 : i32 to index
        %swap3A_530 = arith.constant 0 : index
        %swap3A_531 = tpu.vector_load %arg8[%swap3A_528, %swap3A_529, %swap3A_530] {strides = array<i32>} : memref<32x8x128xf32, #tpu.memory_space<vmem>>, vector<16xf32>,
        tpu.vector_store %arg8[%swap3A_528, %swap3A_529, %swap3A_530], %gather3A_462 {strides = array<i32>} : memref<32x8x128xf32, #tpu.memory_space<vmem>>, vector<16xf32>,
        %gather3A_532 = arith.constant 4800 : i32
        %gather3A_533 = tpu.memref_slice %arg5[%gather3A_532] : memref<6400xf32, #tpu.memory_space<vmem>> -> memref<800xf32, #tpu.memory_space<vmem>>
        %gather3A_534 = tpu.vector_load_idx %gather3A_533[%add3A_145] : memref<800xf32, #tpu.memory_space<vmem>>[vector<16xi32>], vector<16xf32>,
        %swap3A_535 = arith.constant 5 : i32
        %swap3A_536 = arith.index_cast %scan3A_132 : i32 to index
        %swap3A_537 = arith.index_cast %swap3A_535 : i32 to index
        %swap3A_538 = arith.constant 16 : index
        %swap3A_539 = tpu.vector_load %arg8[%swap3A_536, %swap3A_537, %swap3A_538] {strides = array<i32>} : memref<32x8x128xf32, #tpu.memory_space<vmem>>, vector<16xf32>,
        tpu.vector_store %arg8[%swap3A_536, %swap3A_537, %swap3A_538], %gather3A_470 {strides = array<i32>} : memref<32x8x128xf32, #tpu.memory_space<vmem>>, vector<16xf32>,
        %gather3A_540 = arith.constant 4800 : i32
        %gather3A_541 = tpu.memref_slice %arg5[%gather3A_540] : memref<6400xf32, #tpu.memory_space<vmem>> -> memref<800xf32, #tpu.memory_space<vmem>>
        %gather3A_542 = tpu.vector_load_idx %gather3A_541[%add3A_151] : memref<800xf32, #tpu.memory_space<vmem>>[vector<16xi32>], vector<16xf32>,
        %swap3A_543 = arith.constant 5 : i32
        %swap3A_544 = arith.index_cast %scan3A_132 : i32 to index
        %swap3A_545 = arith.index_cast %swap3A_543 : i32 to index
        %swap3A_546 = arith.constant 32 : index
        %swap3A_547 = tpu.vector_load %arg8[%swap3A_544, %swap3A_545, %swap3A_546] {strides = array<i32>} : memref<32x8x128xf32, #tpu.memory_space<vmem>>, vector<16xf32>,
        tpu.vector_store %arg8[%swap3A_544, %swap3A_545, %swap3A_546], %gather3A_478 {strides = array<i32>} : memref<32x8x128xf32, #tpu.memory_space<vmem>>, vector<16xf32>,
        %gather3A_548 = arith.constant 4800 : i32
        %gather3A_549 = tpu.memref_slice %arg5[%gather3A_548] : memref<6400xf32, #tpu.memory_space<vmem>> -> memref<800xf32, #tpu.memory_space<vmem>>
        %gather3A_550 = tpu.vector_load_idx %gather3A_549[%add3A_157] : memref<800xf32, #tpu.memory_space<vmem>>[vector<16xi32>], vector<16xf32>,
        %swap3A_551 = arith.constant 5 : i32
        %swap3A_552 = arith.index_cast %scan3A_132 : i32 to index
        %swap3A_553 = arith.index_cast %swap3A_551 : i32 to index
        %swap3A_554 = arith.constant 48 : index
        %swap3A_555 = tpu.vector_load %arg8[%swap3A_552, %swap3A_553, %swap3A_554] {strides = array<i32>} : memref<32x8x128xf32, #tpu.memory_space<vmem>>, vector<16xf32>,
        tpu.vector_store %arg8[%swap3A_552, %swap3A_553, %swap3A_554], %gather3A_486 {strides = array<i32>} : memref<32x8x128xf32, #tpu.memory_space<vmem>>, vector<16xf32>,
        %gather3A_556 = arith.constant 4800 : i32
        %gather3A_557 = tpu.memref_slice %arg5[%gather3A_556] : memref<6400xf32, #tpu.memory_space<vmem>> -> memref<800xf32, #tpu.memory_space<vmem>>
        %gather3A_558 = tpu.vector_load_idx %gather3A_557[%add3A_163] : memref<800xf32, #tpu.memory_space<vmem>>[vector<16xi32>], vector<16xf32>,
        %swap3A_559 = arith.constant 5 : i32
        %swap3A_560 = arith.index_cast %scan3A_132 : i32 to index
        %swap3A_561 = arith.index_cast %swap3A_559 : i32 to index
        %swap3A_562 = arith.constant 64 : index
        %swap3A_563 = tpu.vector_load %arg8[%swap3A_560, %swap3A_561, %swap3A_562] {strides = array<i32>} : memref<32x8x128xf32, #tpu.memory_space<vmem>>, vector<16xf32>,
        tpu.vector_store %arg8[%swap3A_560, %swap3A_561, %swap3A_562], %gather3A_494 {strides = array<i32>} : memref<32x8x128xf32, #tpu.memory_space<vmem>>, vector<16xf32>,
        %gather3A_564 = arith.constant 4800 : i32
        %gather3A_565 = tpu.memref_slice %arg5[%gather3A_564] : memref<6400xf32, #tpu.memory_space<vmem>> -> memref<800xf32, #tpu.memory_space<vmem>>
        %gather3A_566 = tpu.vector_load_idx %gather3A_565[%add3A_169] : memref<800xf32, #tpu.memory_space<vmem>>[vector<16xi32>], vector<16xf32>,
        %swap3A_567 = arith.constant 5 : i32
        %swap3A_568 = arith.index_cast %scan3A_132 : i32 to index
        %swap3A_569 = arith.index_cast %swap3A_567 : i32 to index
        %swap3A_570 = arith.constant 80 : index
        %swap3A_571 = tpu.vector_load %arg8[%swap3A_568, %swap3A_569, %swap3A_570] {strides = array<i32>} : memref<32x8x128xf32, #tpu.memory_space<vmem>>, vector<16xf32>,
        tpu.vector_store %arg8[%swap3A_568, %swap3A_569, %swap3A_570], %gather3A_502 {strides = array<i32>} : memref<32x8x128xf32, #tpu.memory_space<vmem>>, vector<16xf32>,
        %gather3A_572 = arith.constant 4800 : i32
        %gather3A_573 = tpu.memref_slice %arg5[%gather3A_572] : memref<6400xf32, #tpu.memory_space<vmem>> -> memref<800xf32, #tpu.memory_space<vmem>>
        %gather3A_574 = tpu.vector_load_idx %gather3A_573[%add3A_175] : memref<800xf32, #tpu.memory_space<vmem>>[vector<16xi32>], vector<16xf32>,
        %swap3A_575 = arith.constant 5 : i32
        %swap3A_576 = arith.index_cast %scan3A_132 : i32 to index
        %swap3A_577 = arith.index_cast %swap3A_575 : i32 to index
        %swap3A_578 = arith.constant 96 : index
        %swap3A_579 = tpu.vector_load %arg8[%swap3A_576, %swap3A_577, %swap3A_578] {strides = array<i32>} : memref<32x8x128xf32, #tpu.memory_space<vmem>>, vector<16xf32>,
        tpu.vector_store %arg8[%swap3A_576, %swap3A_577, %swap3A_578], %gather3A_510 {strides = array<i32>} : memref<32x8x128xf32, #tpu.memory_space<vmem>>, vector<16xf32>,
        %gather3A_580 = arith.constant 4800 : i32
        %gather3A_581 = tpu.memref_slice %arg5[%gather3A_580] : memref<6400xf32, #tpu.memory_space<vmem>> -> memref<800xf32, #tpu.memory_space<vmem>>
        %gather3A_582 = tpu.vector_load_idx %gather3A_581[%add3A_181] : memref<800xf32, #tpu.memory_space<vmem>>[vector<16xi32>], vector<16xf32>,
        %swap3A_583 = arith.constant 5 : i32
        %swap3A_584 = arith.index_cast %scan3A_132 : i32 to index
        %swap3A_585 = arith.index_cast %swap3A_583 : i32 to index
        %swap3A_586 = arith.constant 112 : index
        %swap3A_587 = tpu.vector_load %arg8[%swap3A_584, %swap3A_585, %swap3A_586] {strides = array<i32>} : memref<32x8x128xf32, #tpu.memory_space<vmem>>, vector<16xf32>,
        tpu.vector_store %arg8[%swap3A_584, %swap3A_585, %swap3A_586], %gather3A_518 {strides = array<i32>} : memref<32x8x128xf32, #tpu.memory_space<vmem>>, vector<16xf32>,
        %gather3A_588 = arith.constant 5600 : i32
        %gather3A_589 = tpu.memref_slice %arg5[%gather3A_588] : memref<6400xf32, #tpu.memory_space<vmem>> -> memref<800xf32, #tpu.memory_space<vmem>>
        %gather3A_590 = tpu.vector_load_idx %gather3A_589[%add3A_139] : memref<800xf32, #tpu.memory_space<vmem>>[vector<16xi32>], vector<16xf32>,
        %swap3A_591 = arith.constant 6 : i32
        %swap3A_592 = arith.index_cast %scan3A_132 : i32 to index
        %swap3A_593 = arith.index_cast %swap3A_591 : i32 to index
        %swap3A_594 = arith.constant 0 : index
        %swap3A_595 = tpu.vector_load %arg8[%swap3A_592, %swap3A_593, %swap3A_594] {strides = array<i32>} : memref<32x8x128xf32, #tpu.memory_space<vmem>>, vector<16xf32>,
        tpu.vector_store %arg8[%swap3A_592, %swap3A_593, %swap3A_594], %gather3A_526 {strides = array<i32>} : memref<32x8x128xf32, #tpu.memory_space<vmem>>, vector<16xf32>,
        %gather3A_596 = arith.constant 5600 : i32
        %gather3A_597 = tpu.memref_slice %arg5[%gather3A_596] : memref<6400xf32, #tpu.memory_space<vmem>> -> memref<800xf32, #tpu.memory_space<vmem>>
        %gather3A_598 = tpu.vector_load_idx %gather3A_597[%add3A_145] : memref<800xf32, #tpu.memory_space<vmem>>[vector<16xi32>], vector<16xf32>,
        %swap3A_599 = arith.constant 6 : i32
        %swap3A_600 = arith.index_cast %scan3A_132 : i32 to index
        %swap3A_601 = arith.index_cast %swap3A_599 : i32 to index
        %swap3A_602 = arith.constant 16 : index
        %swap3A_603 = tpu.vector_load %arg8[%swap3A_600, %swap3A_601, %swap3A_602] {strides = array<i32>} : memref<32x8x128xf32, #tpu.memory_space<vmem>>, vector<16xf32>,
        tpu.vector_store %arg8[%swap3A_600, %swap3A_601, %swap3A_602], %gather3A_534 {strides = array<i32>} : memref<32x8x128xf32, #tpu.memory_space<vmem>>, vector<16xf32>,
        %gather3A_604 = arith.constant 5600 : i32
        %gather3A_605 = tpu.memref_slice %arg5[%gather3A_604] : memref<6400xf32, #tpu.memory_space<vmem>> -> memref<800xf32, #tpu.memory_space<vmem>>
        %gather3A_606 = tpu.vector_load_idx %gather3A_605[%add3A_151] : memref<800xf32, #tpu.memory_space<vmem>>[vector<16xi32>], vector<16xf32>,
        %swap3A_607 = arith.constant 6 : i32
        %swap3A_608 = arith.index_cast %scan3A_132 : i32 to index
        %swap3A_609 = arith.index_cast %swap3A_607 : i32 to index
        %swap3A_610 = arith.constant 32 : index
        %swap3A_611 = tpu.vector_load %arg8[%swap3A_608, %swap3A_609, %swap3A_610] {strides = array<i32>} : memref<32x8x128xf32, #tpu.memory_space<vmem>>, vector<16xf32>,
        tpu.vector_store %arg8[%swap3A_608, %swap3A_609, %swap3A_610], %gather3A_542 {strides = array<i32>} : memref<32x8x128xf32, #tpu.memory_space<vmem>>, vector<16xf32>,
        %gather3A_612 = arith.constant 5600 : i32
        %gather3A_613 = tpu.memref_slice %arg5[%gather3A_612] : memref<6400xf32, #tpu.memory_space<vmem>> -> memref<800xf32, #tpu.memory_space<vmem>>
        %gather3A_614 = tpu.vector_load_idx %gather3A_613[%add3A_157] : memref<800xf32, #tpu.memory_space<vmem>>[vector<16xi32>], vector<16xf32>,
        %swap3A_615 = arith.constant 6 : i32
        %swap3A_616 = arith.index_cast %scan3A_132 : i32 to index
        %swap3A_617 = arith.index_cast %swap3A_615 : i32 to index
        %swap3A_618 = arith.constant 48 : index
        %swap3A_619 = tpu.vector_load %arg8[%swap3A_616, %swap3A_617, %swap3A_618] {strides = array<i32>} : memref<32x8x128xf32, #tpu.memory_space<vmem>>, vector<16xf32>,
        tpu.vector_store %arg8[%swap3A_616, %swap3A_617, %swap3A_618], %gather3A_550 {strides = array<i32>} : memref<32x8x128xf32, #tpu.memory_space<vmem>>, vector<16xf32>,
        %gather3A_620 = arith.constant 5600 : i32
        %gather3A_621 = tpu.memref_slice %arg5[%gather3A_620] : memref<6400xf32, #tpu.memory_space<vmem>> -> memref<800xf32, #tpu.memory_space<vmem>>
        %gather3A_622 = tpu.vector_load_idx %gather3A_621[%add3A_163] : memref<800xf32, #tpu.memory_space<vmem>>[vector<16xi32>], vector<16xf32>,
        %swap3A_623 = arith.constant 6 : i32
        %swap3A_624 = arith.index_cast %scan3A_132 : i32 to index
        %swap3A_625 = arith.index_cast %swap3A_623 : i32 to index
        %swap3A_626 = arith.constant 64 : index
        %swap3A_627 = tpu.vector_load %arg8[%swap3A_624, %swap3A_625, %swap3A_626] {strides = array<i32>} : memref<32x8x128xf32, #tpu.memory_space<vmem>>, vector<16xf32>,
        tpu.vector_store %arg8[%swap3A_624, %swap3A_625, %swap3A_626], %gather3A_558 {strides = array<i32>} : memref<32x8x128xf32, #tpu.memory_space<vmem>>, vector<16xf32>,
        %gather3A_628 = arith.constant 5600 : i32
        %gather3A_629 = tpu.memref_slice %arg5[%gather3A_628] : memref<6400xf32, #tpu.memory_space<vmem>> -> memref<800xf32, #tpu.memory_space<vmem>>
        %gather3A_630 = tpu.vector_load_idx %gather3A_629[%add3A_169] : memref<800xf32, #tpu.memory_space<vmem>>[vector<16xi32>], vector<16xf32>,
        %swap3A_631 = arith.constant 6 : i32
        %swap3A_632 = arith.index_cast %scan3A_132 : i32 to index
        %swap3A_633 = arith.index_cast %swap3A_631 : i32 to index
        %swap3A_634 = arith.constant 80 : index
        %swap3A_635 = tpu.vector_load %arg8[%swap3A_632, %swap3A_633, %swap3A_634] {strides = array<i32>} : memref<32x8x128xf32, #tpu.memory_space<vmem>>, vector<16xf32>,
        tpu.vector_store %arg8[%swap3A_632, %swap3A_633, %swap3A_634], %gather3A_566 {strides = array<i32>} : memref<32x8x128xf32, #tpu.memory_space<vmem>>, vector<16xf32>,
        %gather3A_636 = arith.constant 5600 : i32
        %gather3A_637 = tpu.memref_slice %arg5[%gather3A_636] : memref<6400xf32, #tpu.memory_space<vmem>> -> memref<800xf32, #tpu.memory_space<vmem>>
        %gather3A_638 = tpu.vector_load_idx %gather3A_637[%add3A_175] : memref<800xf32, #tpu.memory_space<vmem>>[vector<16xi32>], vector<16xf32>,
        %swap3A_639 = arith.constant 6 : i32
        %swap3A_640 = arith.index_cast %scan3A_132 : i32 to index
        %swap3A_641 = arith.index_cast %swap3A_639 : i32 to index
        %swap3A_642 = arith.constant 96 : index
        %swap3A_643 = tpu.vector_load %arg8[%swap3A_640, %swap3A_641, %swap3A_642] {strides = array<i32>} : memref<32x8x128xf32, #tpu.memory_space<vmem>>, vector<16xf32>,
        tpu.vector_store %arg8[%swap3A_640, %swap3A_641, %swap3A_642], %gather3A_574 {strides = array<i32>} : memref<32x8x128xf32, #tpu.memory_space<vmem>>, vector<16xf32>,
        %gather3A_644 = arith.constant 5600 : i32
        %gather3A_645 = tpu.memref_slice %arg5[%gather3A_644] : memref<6400xf32, #tpu.memory_space<vmem>> -> memref<800xf32, #tpu.memory_space<vmem>>
        %gather3A_646 = tpu.vector_load_idx %gather3A_645[%add3A_181] : memref<800xf32, #tpu.memory_space<vmem>>[vector<16xi32>], vector<16xf32>,
        %swap3A_647 = arith.constant 6 : i32
        %swap3A_648 = arith.index_cast %scan3A_132 : i32 to index
        %swap3A_649 = arith.index_cast %swap3A_647 : i32 to index
        %swap3A_650 = arith.constant 112 : index
        %swap3A_651 = tpu.vector_load %arg8[%swap3A_648, %swap3A_649, %swap3A_650] {strides = array<i32>} : memref<32x8x128xf32, #tpu.memory_space<vmem>>, vector<16xf32>,
        tpu.vector_store %arg8[%swap3A_648, %swap3A_649, %swap3A_650], %gather3A_582 {strides = array<i32>} : memref<32x8x128xf32, #tpu.memory_space<vmem>>, vector<16xf32>,
        %swap3A_652 = arith.constant 7 : i32
        %swap3A_653 = arith.index_cast %scan3A_132 : i32 to index
        %swap3A_654 = arith.index_cast %swap3A_652 : i32 to index
        %swap3A_655 = arith.constant 0 : index
        %swap3A_656 = tpu.vector_load %arg8[%swap3A_653, %swap3A_654, %swap3A_655] {strides = array<i32>} : memref<32x8x128xf32, #tpu.memory_space<vmem>>, vector<16xf32>,
        tpu.vector_store %arg8[%swap3A_653, %swap3A_654, %swap3A_655], %gather3A_590 {strides = array<i32>} : memref<32x8x128xf32, #tpu.memory_space<vmem>>, vector<16xf32>,
        %swap3A_657 = arith.constant 7 : i32
        %swap3A_658 = arith.index_cast %scan3A_132 : i32 to index
        %swap3A_659 = arith.index_cast %swap3A_657 : i32 to index
        %swap3A_660 = arith.constant 16 : index
        %swap3A_661 = tpu.vector_load %arg8[%swap3A_658, %swap3A_659, %swap3A_660] {strides = array<i32>} : memref<32x8x128xf32, #tpu.memory_space<vmem>>, vector<16xf32>,
        tpu.vector_store %arg8[%swap3A_658, %swap3A_659, %swap3A_660], %gather3A_598 {strides = array<i32>} : memref<32x8x128xf32, #tpu.memory_space<vmem>>, vector<16xf32>,
        %swap3A_662 = arith.constant 7 : i32
        %swap3A_663 = arith.index_cast %scan3A_132 : i32 to index
        %swap3A_664 = arith.index_cast %swap3A_662 : i32 to index
        %swap3A_665 = arith.constant 32 : index
        %swap3A_666 = tpu.vector_load %arg8[%swap3A_663, %swap3A_664, %swap3A_665] {strides = array<i32>} : memref<32x8x128xf32, #tpu.memory_space<vmem>>, vector<16xf32>,
        tpu.vector_store %arg8[%swap3A_663, %swap3A_664, %swap3A_665], %gather3A_606 {strides = array<i32>} : memref<32x8x128xf32, #tpu.memory_space<vmem>>, vector<16xf32>,
        %swap3A_667 = arith.constant 7 : i32
        %swap3A_668 = arith.index_cast %scan3A_132 : i32 to index
        %swap3A_669 = arith.index_cast %swap3A_667 : i32 to index
        %swap3A_670 = arith.constant 48 : index
        %swap3A_671 = tpu.vector_load %arg8[%swap3A_668, %swap3A_669, %swap3A_670] {strides = array<i32>} : memref<32x8x128xf32, #tpu.memory_space<vmem>>, vector<16xf32>,
        tpu.vector_store %arg8[%swap3A_668, %swap3A_669, %swap3A_670], %gather3A_614 {strides = array<i32>} : memref<32x8x128xf32, #tpu.memory_space<vmem>>, vector<16xf32>,
        %swap3A_672 = arith.constant 7 : i32
        %swap3A_673 = arith.index_cast %scan3A_132 : i32 to index
        %swap3A_674 = arith.index_cast %swap3A_672 : i32 to index
        %swap3A_675 = arith.constant 64 : index
        %swap3A_676 = tpu.vector_load %arg8[%swap3A_673, %swap3A_674, %swap3A_675] {strides = array<i32>} : memref<32x8x128xf32, #tpu.memory_space<vmem>>, vector<16xf32>,
        tpu.vector_store %arg8[%swap3A_673, %swap3A_674, %swap3A_675], %gather3A_622 {strides = array<i32>} : memref<32x8x128xf32, #tpu.memory_space<vmem>>, vector<16xf32>,
        %swap3A_677 = arith.constant 7 : i32
        %swap3A_678 = arith.index_cast %scan3A_132 : i32 to index
        %swap3A_679 = arith.index_cast %swap3A_677 : i32 to index
        %swap3A_680 = arith.constant 80 : index
        %swap3A_681 = tpu.vector_load %arg8[%swap3A_678, %swap3A_679, %swap3A_680] {strides = array<i32>} : memref<32x8x128xf32, #tpu.memory_space<vmem>>, vector<16xf32>,
        tpu.vector_store %arg8[%swap3A_678, %swap3A_679, %swap3A_680], %gather3A_630 {strides = array<i32>} : memref<32x8x128xf32, #tpu.memory_space<vmem>>, vector<16xf32>,
        %swap3A_682 = arith.constant 7 : i32
        %swap3A_683 = arith.index_cast %scan3A_132 : i32 to index
        %swap3A_684 = arith.index_cast %swap3A_682 : i32 to index
        %swap3A_685 = arith.constant 96 : index
        %swap3A_686 = tpu.vector_load %arg8[%swap3A_683, %swap3A_684, %swap3A_685] {strides = array<i32>} : memref<32x8x128xf32, #tpu.memory_space<vmem>>, vector<16xf32>,
        tpu.vector_store %arg8[%swap3A_683, %swap3A_684, %swap3A_685], %gather3A_638 {strides = array<i32>} : memref<32x8x128xf32, #tpu.memory_space<vmem>>, vector<16xf32>,
        %swap3A_687 = arith.constant 7 : i32
        %swap3A_688 = arith.index_cast %scan3A_132 : i32 to index
        %swap3A_689 = arith.index_cast %swap3A_687 : i32 to index
        %swap3A_690 = arith.constant 112 : index
        %swap3A_691 = tpu.vector_load %arg8[%swap3A_688, %swap3A_689, %swap3A_690] {strides = array<i32>} : memref<32x8x128xf32, #tpu.memory_space<vmem>>, vector<16xf32>,
        tpu.vector_store %arg8[%swap3A_688, %swap3A_689, %swap3A_690], %gather3A_646 {strides = array<i32>} : memref<32x8x128xf32, #tpu.memory_space<vmem>>, vector<16xf32>,
      }
      %scan3A_87 = arith.constant 32 : i32
      %mul3A_88 = arith.constant 32 : i32
      %mul3A_89 = arith.muli %select_n3A_30, %mul3A_88 : i32
      %dma_start3A_90 = arith.constant 0 : i32
      %dma_start3A_91 = arith.constant 0 : i32
      %dma_start3A_92 = tpu.memref_slice %arg4[%add3A_69, %select_n3A, %mul3A_89, %dma_start3A_90, %dma_start3A_91] : memref<200x8x128x8x128xf32, #tpu.memory_space<hbm>> -> memref<1x1x32x8x128xf32, #tpu.memory_space<hbm>>
      %dma_start3A_93 = tpu.memref_squeeze %dma_start3A_92 : memref<1x1x32x8x128xf32, #tpu.memory_space<hbm>> -> memref<32x8x128xf32, #tpu.memory_space<hbm>>
      %dma_start3A_94 = arith.constant 0 : i32
      %dma_start3A_95 = arith.constant 0 : i32
      %dma_start3A_96 = tpu.memref_slice %arg4[%add3A_69, %select_n3A, %mul3A_89, %dma_start3A_94, %dma_start3A_95] : memref<200x8x128x8x128xf32, #tpu.memory_space<hbm>> -> memref<1x1x32x8x128xf32, #tpu.memory_space<hbm>>
      %dma_start3A_97 = tpu.memref_squeeze %dma_start3A_96 : memref<1x1x32x8x128xf32, #tpu.memory_space<hbm>> -> memref<32x8x128xf32, #tpu.memory_space<hbm>>
      tpu.enqueue_dma source(%arg8 : memref<32x8x128xf32, #tpu.memory_space<vmem>>) target(%dma_start3A_97 : memref<32x8x128xf32, #tpu.memory_space<hbm>>) target_semaphore(%arg12 : memref<!tpu.dma_semaphore, #tpu.memory_space<semaphore_mem>>)
      %mul3A_98 = arith.constant 2 : i32
      %mul3A_99 = arith.muli %mul3A_98, %scan3A_65 : i32
      %add3A_100 = arith.constant 1 : i32
      %add3A_101 = arith.addi %mul3A_99, %add3A_100 : i32
      %dma_wait3A_102 = tpu.memref_slice %arg2[%add3A_101, %mul3A_34] : memref<200x16384xi32, #tpu.memory_space<hbm>> -> memref<1x4096xi32, #tpu.memory_space<hbm>>
      %dma_wait3A_103 = tpu.memref_squeeze %dma_wait3A_102 : memref<1x4096xi32, #tpu.memory_space<hbm>> -> memref<4096xi32, #tpu.memory_space<hbm>>
      %dma_wait3A_104 = tpu.memref_slice %arg2[%add3A_101, %mul3A_34] : memref<200x16384xi32, #tpu.memory_space<hbm>> -> memref<1x4096xi32, #tpu.memory_space<hbm>>
      %dma_wait3A_105 = tpu.memref_squeeze %dma_wait3A_104 : memref<1x4096xi32, #tpu.memory_space<hbm>> -> memref<4096xi32, #tpu.memory_space<hbm>>
      tpu.wait_dma2 semaphore(%arg11 : memref<!tpu.dma_semaphore, #tpu.memory_space<semaphore_mem>>) src(%dma_wait3A_105 : memref<4096xi32, #tpu.memory_space<hbm>>) dst(%arg7 : memref<4096xi32, #tpu.memory_space<vmem>>)
      %lt3A_106 = arith.constant 99 : i32
      %lt3A_107 = arith.cmpi slt, %scan3A_65, %lt3A_106 : i32
      %convert_element_type3A_108 = arith.extui %lt3A_107 : i1 to i32
      %cond3A_109 = arith.constant 0 : i32
      %cond3A_110 = arith.cmpi ne, %convert_element_type3A_108, %cond3A_109 : i32
      scf.if %cond3A_110 {
        %add3A_132 = arith.constant 1 : i32
        %add3A_133 = arith.addi %add3A_101, %add3A_132 : i32
        %dma_start3A_134 = tpu.memref_slice %arg2[%add3A_133, %mul3A_34] : memref<200x16384xi32, #tpu.memory_space<hbm>> -> memref<1x4096xi32, #tpu.memory_space<hbm>>
        %dma_start3A_135 = tpu.memref_squeeze %dma_start3A_134 : memref<1x4096xi32, #tpu.memory_space<hbm>> -> memref<4096xi32, #tpu.memory_space<hbm>>
        %dma_start3A_136 = tpu.memref_slice %arg2[%add3A_133, %mul3A_34] : memref<200x16384xi32, #tpu.memory_space<hbm>> -> memref<1x4096xi32, #tpu.memory_space<hbm>>
        %dma_start3A_137 = tpu.memref_squeeze %dma_start3A_136 : memref<1x4096xi32, #tpu.memory_space<hbm>> -> memref<4096xi32, #tpu.memory_space<hbm>>
        tpu.enqueue_dma source(%dma_start3A_137 : memref<4096xi32, #tpu.memory_space<hbm>>) target(%arg6 : memref<4096xi32, #tpu.memory_space<vmem>>) target_semaphore(%arg10 : memref<!tpu.dma_semaphore, #tpu.memory_space<semaphore_mem>>)
      } else {
      }
      %ge3A_111 = arith.constant 1 : i32
      %ge3A_112 = arith.cmpi sge, %scan3A_65, %ge3A_111 : i32
      %convert_element_type3A_113 = arith.extui %ge3A_112 : i1 to i32
      %cond3A_114 = arith.constant 0 : i32
      %cond3A_115 = arith.cmpi ne, %convert_element_type3A_113, %cond3A_114 : i32
      scf.if %cond3A_115 {
        %mul3A_132 = arith.constant 32 : i32
        %mul3A_133 = arith.muli %select_n3A_30, %mul3A_132 : i32
        %dma_wait3A_134 = arith.constant 0 : i32
        %dma_wait3A_135 = arith.constant 0 : i32
        %dma_wait3A_136 = tpu.memref_slice %arg4[%add3A_101, %select_n3A, %mul3A_133, %dma_wait3A_134, %dma_wait3A_135] : memref<200x8x128x8x128xf32, #tpu.memory_space<hbm>> -> memref<1x1x32x8x128xf32, #tpu.memory_space<hbm>>
        %dma_wait3A_137 = tpu.memref_squeeze %dma_wait3A_136 : memref<1x1x32x8x128xf32, #tpu.memory_space<hbm>> -> memref<32x8x128xf32, #tpu.memory_space<hbm>>
        %dma_wait3A_138 = arith.constant 0 : i32
        %dma_wait3A_139 = arith.constant 0 : i32
        %dma_wait3A_140 = tpu.memref_slice %arg4[%add3A_101, %select_n3A, %mul3A_133, %dma_wait3A_138, %dma_wait3A_139] : memref<200x8x128x8x128xf32, #tpu.memory_space<hbm>> -> memref<1x1x32x8x128xf32, #tpu.memory_space<hbm>>
        %dma_wait3A_141 = tpu.memref_squeeze %dma_wait3A_140 : memref<1x1x32x8x128xf32, #tpu.memory_space<hbm>> -> memref<32x8x128xf32, #tpu.memory_space<hbm>>
        tpu.wait_dma2 semaphore(%arg13 : memref<!tpu.dma_semaphore, #tpu.memory_space<semaphore_mem>>) src(%arg9 : memref<32x8x128xf32, #tpu.memory_space<vmem>>) dst(%dma_wait3A_141 : memref<32x8x128xf32, #tpu.memory_space<hbm>>)
      } else {
      }
      %scan3A_116 = arith.constant 0 : i32
      %scan3A_117 = arith.constant 0 : i32
      %scan3A_118 = arith.constant 32 : i32
      %scan3A_119 = arith.addi %scan3A_117, %scan3A_118 : i32
      %scan3A_120 = arith.constant 1 : i32
      scf.for %scan3A_132 = %scan3A_117 to %scan3A_119 step %scan3A_120  : i32 {
        %mul3A_133 = arith.constant 128 : i32
        %mul3A_134 = arith.muli %scan3A_132, %mul3A_133 : i32
        %add3A_135 = arith.constant 0 : i32
        %add3A_136 = arith.addi %mul3A_134, %add3A_135 : i32
        %get3A = arith.index_cast %add3A_136 : i32 to index
        %get3A_137 = tpu.vector_load %arg7[%get3A] {strides = array<i32>} : memref<4096xi32, #tpu.memory_space<vmem>>, vector<16xi32>,
        %add3A_138 = vector.broadcast %mul3A_32 : i32 to vector<16xi32>
        %add3A_139 = arith.addi %get3A_137, %add3A_138 : vector<16xi32>
        %add3A_140 = arith.constant 16 : i32
        %add3A_141 = arith.addi %mul3A_134, %add3A_140 : i32
        %get3A_142 = arith.index_cast %add3A_141 : i32 to index
        %get3A_143 = tpu.vector_load %arg7[%get3A_142] {strides = array<i32>} : memref<4096xi32, #tpu.memory_space<vmem>>, vector<16xi32>,
        %add3A_144 = vector.broadcast %mul3A_32 : i32 to vector<16xi32>
        %add3A_145 = arith.addi %get3A_143, %add3A_144 : vector<16xi32>
        %add3A_146 = arith.constant 32 : i32
        %add3A_147 = arith.addi %mul3A_134, %add3A_146 : i32
        %get3A_148 = arith.index_cast %add3A_147 : i32 to index
        %get3A_149 = tpu.vector_load %arg7[%get3A_148] {strides = array<i32>} : memref<4096xi32, #tpu.memory_space<vmem>>, vector<16xi32>,
        %add3A_150 = vector.broadcast %mul3A_32 : i32 to vector<16xi32>
        %add3A_151 = arith.addi %get3A_149, %add3A_150 : vector<16xi32>
        %add3A_152 = arith.constant 48 : i32
        %add3A_153 = arith.addi %mul3A_134, %add3A_152 : i32
        %get3A_154 = arith.index_cast %add3A_153 : i32 to index
        %get3A_155 = tpu.vector_load %arg7[%get3A_154] {strides = array<i32>} : memref<4096xi32, #tpu.memory_space<vmem>>, vector<16xi32>,
        %add3A_156 = vector.broadcast %mul3A_32 : i32 to vector<16xi32>
        %add3A_157 = arith.addi %get3A_155, %add3A_156 : vector<16xi32>
        %add3A_158 = arith.constant 64 : i32
        %add3A_159 = arith.addi %mul3A_134, %add3A_158 : i32
        %get3A_160 = arith.index_cast %add3A_159 : i32 to index
        %get3A_161 = tpu.vector_load %arg7[%get3A_160] {strides = array<i32>} : memref<4096xi32, #tpu.memory_space<vmem>>, vector<16xi32>,
        %add3A_162 = vector.broadcast %mul3A_32 : i32 to vector<16xi32>
        %add3A_163 = arith.addi %get3A_161, %add3A_162 : vector<16xi32>
        %add3A_164 = arith.constant 80 : i32
        %add3A_165 = arith.addi %mul3A_134, %add3A_164 : i32
        %get3A_166 = arith.index_cast %add3A_165 : i32 to index
        %get3A_167 = tpu.vector_load %arg7[%get3A_166] {strides = array<i32>} : memref<4096xi32, #tpu.memory_space<vmem>>, vector<16xi32>,
        %add3A_168 = vector.broadcast %mul3A_32 : i32 to vector<16xi32>
        %add3A_169 = arith.addi %get3A_167, %add3A_168 : vector<16xi32>
        %add3A_170 = arith.constant 96 : i32
        %add3A_171 = arith.addi %mul3A_134, %add3A_170 : i32
        %get3A_172 = arith.index_cast %add3A_171 : i32 to index
        %get3A_173 = tpu.vector_load %arg7[%get3A_172] {strides = array<i32>} : memref<4096xi32, #tpu.memory_space<vmem>>, vector<16xi32>,
        %add3A_174 = vector.broadcast %mul3A_32 : i32 to vector<16xi32>
        %add3A_175 = arith.addi %get3A_173, %add3A_174 : vector<16xi32>
        %add3A_176 = arith.constant 112 : i32
        %add3A_177 = arith.addi %mul3A_134, %add3A_176 : i32
        %get3A_178 = arith.index_cast %add3A_177 : i32 to index
        %get3A_179 = tpu.vector_load %arg7[%get3A_178] {strides = array<i32>} : memref<4096xi32, #tpu.memory_space<vmem>>, vector<16xi32>,
        %add3A_180 = vector.broadcast %mul3A_32 : i32 to vector<16xi32>
        %add3A_181 = arith.addi %get3A_179, %add3A_180 : vector<16xi32>
        %gather3A = arith.constant 0 : i32
        %gather3A_182 = tpu.memref_slice %arg5[%gather3A] : memref<6400xf32, #tpu.memory_space<vmem>> -> memref<800xf32, #tpu.memory_space<vmem>>
        %gather3A_183 = tpu.vector_load_idx %gather3A_182[%add3A_139] : memref<800xf32, #tpu.memory_space<vmem>>[vector<16xi32>], vector<16xf32>,
        %gather3A_184 = arith.constant 0 : i32
        %gather3A_185 = tpu.memref_slice %arg5[%gather3A_184] : memref<6400xf32, #tpu.memory_space<vmem>> -> memref<800xf32, #tpu.memory_space<vmem>>
        %gather3A_186 = tpu.vector_load_idx %gather3A_185[%add3A_145] : memref<800xf32, #tpu.memory_space<vmem>>[vector<16xi32>], vector<16xf32>,
        %gather3A_187 = arith.constant 0 : i32
        %gather3A_188 = tpu.memref_slice %arg5[%gather3A_187] : memref<6400xf32, #tpu.memory_space<vmem>> -> memref<800xf32, #tpu.memory_space<vmem>>
        %gather3A_189 = tpu.vector_load_idx %gather3A_188[%add3A_151] : memref<800xf32, #tpu.memory_space<vmem>>[vector<16xi32>], vector<16xf32>,
        %gather3A_190 = arith.constant 0 : i32
        %gather3A_191 = tpu.memref_slice %arg5[%gather3A_190] : memref<6400xf32, #tpu.memory_space<vmem>> -> memref<800xf32, #tpu.memory_space<vmem>>
        %gather3A_192 = tpu.vector_load_idx %gather3A_191[%add3A_157] : memref<800xf32, #tpu.memory_space<vmem>>[vector<16xi32>], vector<16xf32>,
        %gather3A_193 = arith.constant 0 : i32
        %gather3A_194 = tpu.memref_slice %arg5[%gather3A_193] : memref<6400xf32, #tpu.memory_space<vmem>> -> memref<800xf32, #tpu.memory_space<vmem>>
        %gather3A_195 = tpu.vector_load_idx %gather3A_194[%add3A_163] : memref<800xf32, #tpu.memory_space<vmem>>[vector<16xi32>], vector<16xf32>,
        %gather3A_196 = arith.constant 0 : i32
        %gather3A_197 = tpu.memref_slice %arg5[%gather3A_196] : memref<6400xf32, #tpu.memory_space<vmem>> -> memref<800xf32, #tpu.memory_space<vmem>>
        %gather3A_198 = tpu.vector_load_idx %gather3A_197[%add3A_169] : memref<800xf32, #tpu.memory_space<vmem>>[vector<16xi32>], vector<16xf32>,
        %gather3A_199 = arith.constant 0 : i32
        %gather3A_200 = tpu.memref_slice %arg5[%gather3A_199] : memref<6400xf32, #tpu.memory_space<vmem>> -> memref<800xf32, #tpu.memory_space<vmem>>
        %gather3A_201 = tpu.vector_load_idx %gather3A_200[%add3A_175] : memref<800xf32, #tpu.memory_space<vmem>>[vector<16xi32>], vector<16xf32>,
        %gather3A_202 = arith.constant 0 : i32
        %gather3A_203 = tpu.memref_slice %arg5[%gather3A_202] : memref<6400xf32, #tpu.memory_space<vmem>> -> memref<800xf32, #tpu.memory_space<vmem>>
        %gather3A_204 = tpu.vector_load_idx %gather3A_203[%add3A_181] : memref<800xf32, #tpu.memory_space<vmem>>[vector<16xi32>], vector<16xf32>,
        %gather3A_205 = arith.constant 800 : i32
        %gather3A_206 = tpu.memref_slice %arg5[%gather3A_205] : memref<6400xf32, #tpu.memory_space<vmem>> -> memref<800xf32, #tpu.memory_space<vmem>>
        %gather3A_207 = tpu.vector_load_idx %gather3A_206[%add3A_139] : memref<800xf32, #tpu.memory_space<vmem>>[vector<16xi32>], vector<16xf32>,
        %swap3A = arith.constant 0 : i32
        %swap3A_208 = arith.index_cast %scan3A_132 : i32 to index
        %swap3A_209 = arith.index_cast %swap3A : i32 to index
        %swap3A_210 = arith.constant 0 : index
        %swap3A_211 = tpu.vector_load %arg9[%swap3A_208, %swap3A_209, %swap3A_210] {strides = array<i32>} : memref<32x8x128xf32, #tpu.memory_space<vmem>>, vector<16xf32>,
        tpu.vector_store %arg9[%swap3A_208, %swap3A_209, %swap3A_210], %gather3A_183 {strides = array<i32>} : memref<32x8x128xf32, #tpu.memory_space<vmem>>, vector<16xf32>,
        %gather3A_212 = arith.constant 800 : i32
        %gather3A_213 = tpu.memref_slice %arg5[%gather3A_212] : memref<6400xf32, #tpu.memory_space<vmem>> -> memref<800xf32, #tpu.memory_space<vmem>>
        %gather3A_214 = tpu.vector_load_idx %gather3A_213[%add3A_145] : memref<800xf32, #tpu.memory_space<vmem>>[vector<16xi32>], vector<16xf32>,
        %swap3A_215 = arith.constant 0 : i32
        %swap3A_216 = arith.index_cast %scan3A_132 : i32 to index
        %swap3A_217 = arith.index_cast %swap3A_215 : i32 to index
        %swap3A_218 = arith.constant 16 : index
        %swap3A_219 = tpu.vector_load %arg9[%swap3A_216, %swap3A_217, %swap3A_218] {strides = array<i32>} : memref<32x8x128xf32, #tpu.memory_space<vmem>>, vector<16xf32>,
        tpu.vector_store %arg9[%swap3A_216, %swap3A_217, %swap3A_218], %gather3A_186 {strides = array<i32>} : memref<32x8x128xf32, #tpu.memory_space<vmem>>, vector<16xf32>,
        %gather3A_220 = arith.constant 800 : i32
        %gather3A_221 = tpu.memref_slice %arg5[%gather3A_220] : memref<6400xf32, #tpu.memory_space<vmem>> -> memref<800xf32, #tpu.memory_space<vmem>>
        %gather3A_222 = tpu.vector_load_idx %gather3A_221[%add3A_151] : memref<800xf32, #tpu.memory_space<vmem>>[vector<16xi32>], vector<16xf32>,
        %swap3A_223 = arith.constant 0 : i32
        %swap3A_224 = arith.index_cast %scan3A_132 : i32 to index
        %swap3A_225 = arith.index_cast %swap3A_223 : i32 to index
        %swap3A_226 = arith.constant 32 : index
        %swap3A_227 = tpu.vector_load %arg9[%swap3A_224, %swap3A_225, %swap3A_226] {strides = array<i32>} : memref<32x8x128xf32, #tpu.memory_space<vmem>>, vector<16xf32>,
        tpu.vector_store %arg9[%swap3A_224, %swap3A_225, %swap3A_226], %gather3A_189 {strides = array<i32>} : memref<32x8x128xf32, #tpu.memory_space<vmem>>, vector<16xf32>,
        %gather3A_228 = arith.constant 800 : i32
        %gather3A_229 = tpu.memref_slice %arg5[%gather3A_228] : memref<6400xf32, #tpu.memory_space<vmem>> -> memref<800xf32, #tpu.memory_space<vmem>>
        %gather3A_230 = tpu.vector_load_idx %gather3A_229[%add3A_157] : memref<800xf32, #tpu.memory_space<vmem>>[vector<16xi32>], vector<16xf32>,
        %swap3A_231 = arith.constant 0 : i32
        %swap3A_232 = arith.index_cast %scan3A_132 : i32 to index
        %swap3A_233 = arith.index_cast %swap3A_231 : i32 to index
        %swap3A_234 = arith.constant 48 : index
        %swap3A_235 = tpu.vector_load %arg9[%swap3A_232, %swap3A_233, %swap3A_234] {strides = array<i32>} : memref<32x8x128xf32, #tpu.memory_space<vmem>>, vector<16xf32>,
        tpu.vector_store %arg9[%swap3A_232, %swap3A_233, %swap3A_234], %gather3A_192 {strides = array<i32>} : memref<32x8x128xf32, #tpu.memory_space<vmem>>, vector<16xf32>,
        %gather3A_236 = arith.constant 800 : i32
        %gather3A_237 = tpu.memref_slice %arg5[%gather3A_236] : memref<6400xf32, #tpu.memory_space<vmem>> -> memref<800xf32, #tpu.memory_space<vmem>>
        %gather3A_238 = tpu.vector_load_idx %gather3A_237[%add3A_163] : memref<800xf32, #tpu.memory_space<vmem>>[vector<16xi32>], vector<16xf32>,
        %swap3A_239 = arith.constant 0 : i32
        %swap3A_240 = arith.index_cast %scan3A_132 : i32 to index
        %swap3A_241 = arith.index_cast %swap3A_239 : i32 to index
        %swap3A_242 = arith.constant 64 : index
        %swap3A_243 = tpu.vector_load %arg9[%swap3A_240, %swap3A_241, %swap3A_242] {strides = array<i32>} : memref<32x8x128xf32, #tpu.memory_space<vmem>>, vector<16xf32>,
        tpu.vector_store %arg9[%swap3A_240, %swap3A_241, %swap3A_242], %gather3A_195 {strides = array<i32>} : memref<32x8x128xf32, #tpu.memory_space<vmem>>, vector<16xf32>,
        %gather3A_244 = arith.constant 800 : i32
        %gather3A_245 = tpu.memref_slice %arg5[%gather3A_244] : memref<6400xf32, #tpu.memory_space<vmem>> -> memref<800xf32, #tpu.memory_space<vmem>>
        %gather3A_246 = tpu.vector_load_idx %gather3A_245[%add3A_169] : memref<800xf32, #tpu.memory_space<vmem>>[vector<16xi32>], vector<16xf32>,
        %swap3A_247 = arith.constant 0 : i32
        %swap3A_248 = arith.index_cast %scan3A_132 : i32 to index
        %swap3A_249 = arith.index_cast %swap3A_247 : i32 to index
        %swap3A_250 = arith.constant 80 : index
        %swap3A_251 = tpu.vector_load %arg9[%swap3A_248, %swap3A_249, %swap3A_250] {strides = array<i32>} : memref<32x8x128xf32, #tpu.memory_space<vmem>>, vector<16xf32>,
        tpu.vector_store %arg9[%swap3A_248, %swap3A_249, %swap3A_250], %gather3A_198 {strides = array<i32>} : memref<32x8x128xf32, #tpu.memory_space<vmem>>, vector<16xf32>,
        %gather3A_252 = arith.constant 800 : i32
        %gather3A_253 = tpu.memref_slice %arg5[%gather3A_252] : memref<6400xf32, #tpu.memory_space<vmem>> -> memref<800xf32, #tpu.memory_space<vmem>>
        %gather3A_254 = tpu.vector_load_idx %gather3A_253[%add3A_175] : memref<800xf32, #tpu.memory_space<vmem>>[vector<16xi32>], vector<16xf32>,
        %swap3A_255 = arith.constant 0 : i32
        %swap3A_256 = arith.index_cast %scan3A_132 : i32 to index
        %swap3A_257 = arith.index_cast %swap3A_255 : i32 to index
        %swap3A_258 = arith.constant 96 : index
        %swap3A_259 = tpu.vector_load %arg9[%swap3A_256, %swap3A_257, %swap3A_258] {strides = array<i32>} : memref<32x8x128xf32, #tpu.memory_space<vmem>>, vector<16xf32>,
        tpu.vector_store %arg9[%swap3A_256, %swap3A_257, %swap3A_258], %gather3A_201 {strides = array<i32>} : memref<32x8x128xf32, #tpu.memory_space<vmem>>, vector<16xf32>,
        %gather3A_260 = arith.constant 800 : i32
        %gather3A_261 = tpu.memref_slice %arg5[%gather3A_260] : memref<6400xf32, #tpu.memory_space<vmem>> -> memref<800xf32, #tpu.memory_space<vmem>>
        %gather3A_262 = tpu.vector_load_idx %gather3A_261[%add3A_181] : memref<800xf32, #tpu.memory_space<vmem>>[vector<16xi32>], vector<16xf32>,
        %swap3A_263 = arith.constant 0 : i32
        %swap3A_264 = arith.index_cast %scan3A_132 : i32 to index
        %swap3A_265 = arith.index_cast %swap3A_263 : i32 to index
        %swap3A_266 = arith.constant 112 : index
        %swap3A_267 = tpu.vector_load %arg9[%swap3A_264, %swap3A_265, %swap3A_266] {strides = array<i32>} : memref<32x8x128xf32, #tpu.memory_space<vmem>>, vector<16xf32>,
        tpu.vector_store %arg9[%swap3A_264, %swap3A_265, %swap3A_266], %gather3A_204 {strides = array<i32>} : memref<32x8x128xf32, #tpu.memory_space<vmem>>, vector<16xf32>,
        %gather3A_268 = arith.constant 1600 : i32
        %gather3A_269 = tpu.memref_slice %arg5[%gather3A_268] : memref<6400xf32, #tpu.memory_space<vmem>> -> memref<800xf32, #tpu.memory_space<vmem>>
        %gather3A_270 = tpu.vector_load_idx %gather3A_269[%add3A_139] : memref<800xf32, #tpu.memory_space<vmem>>[vector<16xi32>], vector<16xf32>,
        %swap3A_271 = arith.constant 1 : i32
        %swap3A_272 = arith.index_cast %scan3A_132 : i32 to index
        %swap3A_273 = arith.index_cast %swap3A_271 : i32 to index
        %swap3A_274 = arith.constant 0 : index
        %swap3A_275 = tpu.vector_load %arg9[%swap3A_272, %swap3A_273, %swap3A_274] {strides = array<i32>} : memref<32x8x128xf32, #tpu.memory_space<vmem>>, vector<16xf32>,
        tpu.vector_store %arg9[%swap3A_272, %swap3A_273, %swap3A_274], %gather3A_207 {strides = array<i32>} : memref<32x8x128xf32, #tpu.memory_space<vmem>>, vector<16xf32>,
        %gather3A_276 = arith.constant 1600 : i32
        %gather3A_277 = tpu.memref_slice %arg5[%gather3A_276] : memref<6400xf32, #tpu.memory_space<vmem>> -> memref<800xf32, #tpu.memory_space<vmem>>
        %gather3A_278 = tpu.vector_load_idx %gather3A_277[%add3A_145] : memref<800xf32, #tpu.memory_space<vmem>>[vector<16xi32>], vector<16xf32>,
        %swap3A_279 = arith.constant 1 : i32
        %swap3A_280 = arith.index_cast %scan3A_132 : i32 to index
        %swap3A_281 = arith.index_cast %swap3A_279 : i32 to index
        %swap3A_282 = arith.constant 16 : index
        %swap3A_283 = tpu.vector_load %arg9[%swap3A_280, %swap3A_281, %swap3A_282] {strides = array<i32>} : memref<32x8x128xf32, #tpu.memory_space<vmem>>, vector<16xf32>,
        tpu.vector_store %arg9[%swap3A_280, %swap3A_281, %swap3A_282], %gather3A_214 {strides = array<i32>} : memref<32x8x128xf32, #tpu.memory_space<vmem>>, vector<16xf32>,
        %gather3A_284 = arith.constant 1600 : i32
        %gather3A_285 = tpu.memref_slice %arg5[%gather3A_284] : memref<6400xf32, #tpu.memory_space<vmem>> -> memref<800xf32, #tpu.memory_space<vmem>>
        %gather3A_286 = tpu.vector_load_idx %gather3A_285[%add3A_151] : memref<800xf32, #tpu.memory_space<vmem>>[vector<16xi32>], vector<16xf32>,
        %swap3A_287 = arith.constant 1 : i32
        %swap3A_288 = arith.index_cast %scan3A_132 : i32 to index
        %swap3A_289 = arith.index_cast %swap3A_287 : i32 to index
        %swap3A_290 = arith.constant 32 : index
        %swap3A_291 = tpu.vector_load %arg9[%swap3A_288, %swap3A_289, %swap3A_290] {strides = array<i32>} : memref<32x8x128xf32, #tpu.memory_space<vmem>>, vector<16xf32>,
        tpu.vector_store %arg9[%swap3A_288, %swap3A_289, %swap3A_290], %gather3A_222 {strides = array<i32>} : memref<32x8x128xf32, #tpu.memory_space<vmem>>, vector<16xf32>,
        %gather3A_292 = arith.constant 1600 : i32
        %gather3A_293 = tpu.memref_slice %arg5[%gather3A_292] : memref<6400xf32, #tpu.memory_space<vmem>> -> memref<800xf32, #tpu.memory_space<vmem>>
        %gather3A_294 = tpu.vector_load_idx %gather3A_293[%add3A_157] : memref<800xf32, #tpu.memory_space<vmem>>[vector<16xi32>], vector<16xf32>,
        %swap3A_295 = arith.constant 1 : i32
        %swap3A_296 = arith.index_cast %scan3A_132 : i32 to index
        %swap3A_297 = arith.index_cast %swap3A_295 : i32 to index
        %swap3A_298 = arith.constant 48 : index
        %swap3A_299 = tpu.vector_load %arg9[%swap3A_296, %swap3A_297, %swap3A_298] {strides = array<i32>} : memref<32x8x128xf32, #tpu.memory_space<vmem>>, vector<16xf32>,
        tpu.vector_store %arg9[%swap3A_296, %swap3A_297, %swap3A_298], %gather3A_230 {strides = array<i32>} : memref<32x8x128xf32, #tpu.memory_space<vmem>>, vector<16xf32>,
        %gather3A_300 = arith.constant 1600 : i32
        %gather3A_301 = tpu.memref_slice %arg5[%gather3A_300] : memref<6400xf32, #tpu.memory_space<vmem>> -> memref<800xf32, #tpu.memory_space<vmem>>
        %gather3A_302 = tpu.vector_load_idx %gather3A_301[%add3A_163] : memref<800xf32, #tpu.memory_space<vmem>>[vector<16xi32>], vector<16xf32>,
        %swap3A_303 = arith.constant 1 : i32
        %swap3A_304 = arith.index_cast %scan3A_132 : i32 to index
        %swap3A_305 = arith.index_cast %swap3A_303 : i32 to index
        %swap3A_306 = arith.constant 64 : index
        %swap3A_307 = tpu.vector_load %arg9[%swap3A_304, %swap3A_305, %swap3A_306] {strides = array<i32>} : memref<32x8x128xf32, #tpu.memory_space<vmem>>, vector<16xf32>,
        tpu.vector_store %arg9[%swap3A_304, %swap3A_305, %swap3A_306], %gather3A_238 {strides = array<i32>} : memref<32x8x128xf32, #tpu.memory_space<vmem>>, vector<16xf32>,
        %gather3A_308 = arith.constant 1600 : i32
        %gather3A_309 = tpu.memref_slice %arg5[%gather3A_308] : memref<6400xf32, #tpu.memory_space<vmem>> -> memref<800xf32, #tpu.memory_space<vmem>>
        %gather3A_310 = tpu.vector_load_idx %gather3A_309[%add3A_169] : memref<800xf32, #tpu.memory_space<vmem>>[vector<16xi32>], vector<16xf32>,
        %swap3A_311 = arith.constant 1 : i32
        %swap3A_312 = arith.index_cast %scan3A_132 : i32 to index
        %swap3A_313 = arith.index_cast %swap3A_311 : i32 to index
        %swap3A_314 = arith.constant 80 : index
        %swap3A_315 = tpu.vector_load %arg9[%swap3A_312, %swap3A_313, %swap3A_314] {strides = array<i32>} : memref<32x8x128xf32, #tpu.memory_space<vmem>>, vector<16xf32>,
        tpu.vector_store %arg9[%swap3A_312, %swap3A_313, %swap3A_314], %gather3A_246 {strides = array<i32>} : memref<32x8x128xf32, #tpu.memory_space<vmem>>, vector<16xf32>,
        %gather3A_316 = arith.constant 1600 : i32
        %gather3A_317 = tpu.memref_slice %arg5[%gather3A_316] : memref<6400xf32, #tpu.memory_space<vmem>> -> memref<800xf32, #tpu.memory_space<vmem>>
        %gather3A_318 = tpu.vector_load_idx %gather3A_317[%add3A_175] : memref<800xf32, #tpu.memory_space<vmem>>[vector<16xi32>], vector<16xf32>,
        %swap3A_319 = arith.constant 1 : i32
        %swap3A_320 = arith.index_cast %scan3A_132 : i32 to index
        %swap3A_321 = arith.index_cast %swap3A_319 : i32 to index
        %swap3A_322 = arith.constant 96 : index
        %swap3A_323 = tpu.vector_load %arg9[%swap3A_320, %swap3A_321, %swap3A_322] {strides = array<i32>} : memref<32x8x128xf32, #tpu.memory_space<vmem>>, vector<16xf32>,
        tpu.vector_store %arg9[%swap3A_320, %swap3A_321, %swap3A_322], %gather3A_254 {strides = array<i32>} : memref<32x8x128xf32, #tpu.memory_space<vmem>>, vector<16xf32>,
        %gather3A_324 = arith.constant 1600 : i32
        %gather3A_325 = tpu.memref_slice %arg5[%gather3A_324] : memref<6400xf32, #tpu.memory_space<vmem>> -> memref<800xf32, #tpu.memory_space<vmem>>
        %gather3A_326 = tpu.vector_load_idx %gather3A_325[%add3A_181] : memref<800xf32, #tpu.memory_space<vmem>>[vector<16xi32>], vector<16xf32>,
        %swap3A_327 = arith.constant 1 : i32
        %swap3A_328 = arith.index_cast %scan3A_132 : i32 to index
        %swap3A_329 = arith.index_cast %swap3A_327 : i32 to index
        %swap3A_330 = arith.constant 112 : index
        %swap3A_331 = tpu.vector_load %arg9[%swap3A_328, %swap3A_329, %swap3A_330] {strides = array<i32>} : memref<32x8x128xf32, #tpu.memory_space<vmem>>, vector<16xf32>,
        tpu.vector_store %arg9[%swap3A_328, %swap3A_329, %swap3A_330], %gather3A_262 {strides = array<i32>} : memref<32x8x128xf32, #tpu.memory_space<vmem>>, vector<16xf32>,
        %gather3A_332 = arith.constant 2400 : i32
        %gather3A_333 = tpu.memref_slice %arg5[%gather3A_332] : memref<6400xf32, #tpu.memory_space<vmem>> -> memref<800xf32, #tpu.memory_space<vmem>>
        %gather3A_334 = tpu.vector_load_idx %gather3A_333[%add3A_139] : memref<800xf32, #tpu.memory_space<vmem>>[vector<16xi32>], vector<16xf32>,
        %swap3A_335 = arith.constant 2 : i32
        %swap3A_336 = arith.index_cast %scan3A_132 : i32 to index
        %swap3A_337 = arith.index_cast %swap3A_335 : i32 to index
        %swap3A_338 = arith.constant 0 : index
        %swap3A_339 = tpu.vector_load %arg9[%swap3A_336, %swap3A_337, %swap3A_338] {strides = array<i32>} : memref<32x8x128xf32, #tpu.memory_space<vmem>>, vector<16xf32>,
        tpu.vector_store %arg9[%swap3A_336, %swap3A_337, %swap3A_338], %gather3A_270 {strides = array<i32>} : memref<32x8x128xf32, #tpu.memory_space<vmem>>, vector<16xf32>,
        %gather3A_340 = arith.constant 2400 : i32
        %gather3A_341 = tpu.memref_slice %arg5[%gather3A_340] : memref<6400xf32, #tpu.memory_space<vmem>> -> memref<800xf32, #tpu.memory_space<vmem>>
        %gather3A_342 = tpu.vector_load_idx %gather3A_341[%add3A_145] : memref<800xf32, #tpu.memory_space<vmem>>[vector<16xi32>], vector<16xf32>,
        %swap3A_343 = arith.constant 2 : i32
        %swap3A_344 = arith.index_cast %scan3A_132 : i32 to index
        %swap3A_345 = arith.index_cast %swap3A_343 : i32 to index
        %swap3A_346 = arith.constant 16 : index
        %swap3A_347 = tpu.vector_load %arg9[%swap3A_344, %swap3A_345, %swap3A_346] {strides = array<i32>} : memref<32x8x128xf32, #tpu.memory_space<vmem>>, vector<16xf32>,
        tpu.vector_store %arg9[%swap3A_344, %swap3A_345, %swap3A_346], %gather3A_278 {strides = array<i32>} : memref<32x8x128xf32, #tpu.memory_space<vmem>>, vector<16xf32>,
        %gather3A_348 = arith.constant 2400 : i32
        %gather3A_349 = tpu.memref_slice %arg5[%gather3A_348] : memref<6400xf32, #tpu.memory_space<vmem>> -> memref<800xf32, #tpu.memory_space<vmem>>
        %gather3A_350 = tpu.vector_load_idx %gather3A_349[%add3A_151] : memref<800xf32, #tpu.memory_space<vmem>>[vector<16xi32>], vector<16xf32>,
        %swap3A_351 = arith.constant 2 : i32
        %swap3A_352 = arith.index_cast %scan3A_132 : i32 to index
        %swap3A_353 = arith.index_cast %swap3A_351 : i32 to index
        %swap3A_354 = arith.constant 32 : index
        %swap3A_355 = tpu.vector_load %arg9[%swap3A_352, %swap3A_353, %swap3A_354] {strides = array<i32>} : memref<32x8x128xf32, #tpu.memory_space<vmem>>, vector<16xf32>,
        tpu.vector_store %arg9[%swap3A_352, %swap3A_353, %swap3A_354], %gather3A_286 {strides = array<i32>} : memref<32x8x128xf32, #tpu.memory_space<vmem>>, vector<16xf32>,
        %gather3A_356 = arith.constant 2400 : i32
        %gather3A_357 = tpu.memref_slice %arg5[%gather3A_356] : memref<6400xf32, #tpu.memory_space<vmem>> -> memref<800xf32, #tpu.memory_space<vmem>>
        %gather3A_358 = tpu.vector_load_idx %gather3A_357[%add3A_157] : memref<800xf32, #tpu.memory_space<vmem>>[vector<16xi32>], vector<16xf32>,
        %swap3A_359 = arith.constant 2 : i32
        %swap3A_360 = arith.index_cast %scan3A_132 : i32 to index
        %swap3A_361 = arith.index_cast %swap3A_359 : i32 to index
        %swap3A_362 = arith.constant 48 : index
        %swap3A_363 = tpu.vector_load %arg9[%swap3A_360, %swap3A_361, %swap3A_362] {strides = array<i32>} : memref<32x8x128xf32, #tpu.memory_space<vmem>>, vector<16xf32>,
        tpu.vector_store %arg9[%swap3A_360, %swap3A_361, %swap3A_362], %gather3A_294 {strides = array<i32>} : memref<32x8x128xf32, #tpu.memory_space<vmem>>, vector<16xf32>,
        %gather3A_364 = arith.constant 2400 : i32
        %gather3A_365 = tpu.memref_slice %arg5[%gather3A_364] : memref<6400xf32, #tpu.memory_space<vmem>> -> memref<800xf32, #tpu.memory_space<vmem>>
        %gather3A_366 = tpu.vector_load_idx %gather3A_365[%add3A_163] : memref<800xf32, #tpu.memory_space<vmem>>[vector<16xi32>], vector<16xf32>,
        %swap3A_367 = arith.constant 2 : i32
        %swap3A_368 = arith.index_cast %scan3A_132 : i32 to index
        %swap3A_369 = arith.index_cast %swap3A_367 : i32 to index
        %swap3A_370 = arith.constant 64 : index
        %swap3A_371 = tpu.vector_load %arg9[%swap3A_368, %swap3A_369, %swap3A_370] {strides = array<i32>} : memref<32x8x128xf32, #tpu.memory_space<vmem>>, vector<16xf32>,
        tpu.vector_store %arg9[%swap3A_368, %swap3A_369, %swap3A_370], %gather3A_302 {strides = array<i32>} : memref<32x8x128xf32, #tpu.memory_space<vmem>>, vector<16xf32>,
        %gather3A_372 = arith.constant 2400 : i32
        %gather3A_373 = tpu.memref_slice %arg5[%gather3A_372] : memref<6400xf32, #tpu.memory_space<vmem>> -> memref<800xf32, #tpu.memory_space<vmem>>
        %gather3A_374 = tpu.vector_load_idx %gather3A_373[%add3A_169] : memref<800xf32, #tpu.memory_space<vmem>>[vector<16xi32>], vector<16xf32>,
        %swap3A_375 = arith.constant 2 : i32
        %swap3A_376 = arith.index_cast %scan3A_132 : i32 to index
        %swap3A_377 = arith.index_cast %swap3A_375 : i32 to index
        %swap3A_378 = arith.constant 80 : index
        %swap3A_379 = tpu.vector_load %arg9[%swap3A_376, %swap3A_377, %swap3A_378] {strides = array<i32>} : memref<32x8x128xf32, #tpu.memory_space<vmem>>, vector<16xf32>,
        tpu.vector_store %arg9[%swap3A_376, %swap3A_377, %swap3A_378], %gather3A_310 {strides = array<i32>} : memref<32x8x128xf32, #tpu.memory_space<vmem>>, vector<16xf32>,
        %gather3A_380 = arith.constant 2400 : i32
        %gather3A_381 = tpu.memref_slice %arg5[%gather3A_380] : memref<6400xf32, #tpu.memory_space<vmem>> -> memref<800xf32, #tpu.memory_space<vmem>>
        %gather3A_382 = tpu.vector_load_idx %gather3A_381[%add3A_175] : memref<800xf32, #tpu.memory_space<vmem>>[vector<16xi32>], vector<16xf32>,
        %swap3A_383 = arith.constant 2 : i32
        %swap3A_384 = arith.index_cast %scan3A_132 : i32 to index
        %swap3A_385 = arith.index_cast %swap3A_383 : i32 to index
        %swap3A_386 = arith.constant 96 : index
        %swap3A_387 = tpu.vector_load %arg9[%swap3A_384, %swap3A_385, %swap3A_386] {strides = array<i32>} : memref<32x8x128xf32, #tpu.memory_space<vmem>>, vector<16xf32>,
        tpu.vector_store %arg9[%swap3A_384, %swap3A_385, %swap3A_386], %gather3A_318 {strides = array<i32>} : memref<32x8x128xf32, #tpu.memory_space<vmem>>, vector<16xf32>,
        %gather3A_388 = arith.constant 2400 : i32
        %gather3A_389 = tpu.memref_slice %arg5[%gather3A_388] : memref<6400xf32, #tpu.memory_space<vmem>> -> memref<800xf32, #tpu.memory_space<vmem>>
        %gather3A_390 = tpu.vector_load_idx %gather3A_389[%add3A_181] : memref<800xf32, #tpu.memory_space<vmem>>[vector<16xi32>], vector<16xf32>,
        %swap3A_391 = arith.constant 2 : i32
        %swap3A_392 = arith.index_cast %scan3A_132 : i32 to index
        %swap3A_393 = arith.index_cast %swap3A_391 : i32 to index
        %swap3A_394 = arith.constant 112 : index
        %swap3A_395 = tpu.vector_load %arg9[%swap3A_392, %swap3A_393, %swap3A_394] {strides = array<i32>} : memref<32x8x128xf32, #tpu.memory_space<vmem>>, vector<16xf32>,
        tpu.vector_store %arg9[%swap3A_392, %swap3A_393, %swap3A_394], %gather3A_326 {strides = array<i32>} : memref<32x8x128xf32, #tpu.memory_space<vmem>>, vector<16xf32>,
        %gather3A_396 = arith.constant 3200 : i32
        %gather3A_397 = tpu.memref_slice %arg5[%gather3A_396] : memref<6400xf32, #tpu.memory_space<vmem>> -> memref<800xf32, #tpu.memory_space<vmem>>
        %gather3A_398 = tpu.vector_load_idx %gather3A_397[%add3A_139] : memref<800xf32, #tpu.memory_space<vmem>>[vector<16xi32>], vector<16xf32>,
        %swap3A_399 = arith.constant 3 : i32
        %swap3A_400 = arith.index_cast %scan3A_132 : i32 to index
        %swap3A_401 = arith.index_cast %swap3A_399 : i32 to index
        %swap3A_402 = arith.constant 0 : index
        %swap3A_403 = tpu.vector_load %arg9[%swap3A_400, %swap3A_401, %swap3A_402] {strides = array<i32>} : memref<32x8x128xf32, #tpu.memory_space<vmem>>, vector<16xf32>,
        tpu.vector_store %arg9[%swap3A_400, %swap3A_401, %swap3A_402], %gather3A_334 {strides = array<i32>} : memref<32x8x128xf32, #tpu.memory_space<vmem>>, vector<16xf32>,
        %gather3A_404 = arith.constant 3200 : i32
        %gather3A_405 = tpu.memref_slice %arg5[%gather3A_404] : memref<6400xf32, #tpu.memory_space<vmem>> -> memref<800xf32, #tpu.memory_space<vmem>>
        %gather3A_406 = tpu.vector_load_idx %gather3A_405[%add3A_145] : memref<800xf32, #tpu.memory_space<vmem>>[vector<16xi32>], vector<16xf32>,
        %swap3A_407 = arith.constant 3 : i32
        %swap3A_408 = arith.index_cast %scan3A_132 : i32 to index
        %swap3A_409 = arith.index_cast %swap3A_407 : i32 to index
        %swap3A_410 = arith.constant 16 : index
        %swap3A_411 = tpu.vector_load %arg9[%swap3A_408, %swap3A_409, %swap3A_410] {strides = array<i32>} : memref<32x8x128xf32, #tpu.memory_space<vmem>>, vector<16xf32>,
        tpu.vector_store %arg9[%swap3A_408, %swap3A_409, %swap3A_410], %gather3A_342 {strides = array<i32>} : memref<32x8x128xf32, #tpu.memory_space<vmem>>, vector<16xf32>,
        %gather3A_412 = arith.constant 3200 : i32
        %gather3A_413 = tpu.memref_slice %arg5[%gather3A_412] : memref<6400xf32, #tpu.memory_space<vmem>> -> memref<800xf32, #tpu.memory_space<vmem>>
        %gather3A_414 = tpu.vector_load_idx %gather3A_413[%add3A_151] : memref<800xf32, #tpu.memory_space<vmem>>[vector<16xi32>], vector<16xf32>,
        %swap3A_415 = arith.constant 3 : i32
        %swap3A_416 = arith.index_cast %scan3A_132 : i32 to index
        %swap3A_417 = arith.index_cast %swap3A_415 : i32 to index
        %swap3A_418 = arith.constant 32 : index
        %swap3A_419 = tpu.vector_load %arg9[%swap3A_416, %swap3A_417, %swap3A_418] {strides = array<i32>} : memref<32x8x128xf32, #tpu.memory_space<vmem>>, vector<16xf32>,
        tpu.vector_store %arg9[%swap3A_416, %swap3A_417, %swap3A_418], %gather3A_350 {strides = array<i32>} : memref<32x8x128xf32, #tpu.memory_space<vmem>>, vector<16xf32>,
        %gather3A_420 = arith.constant 3200 : i32
        %gather3A_421 = tpu.memref_slice %arg5[%gather3A_420] : memref<6400xf32, #tpu.memory_space<vmem>> -> memref<800xf32, #tpu.memory_space<vmem>>
        %gather3A_422 = tpu.vector_load_idx %gather3A_421[%add3A_157] : memref<800xf32, #tpu.memory_space<vmem>>[vector<16xi32>], vector<16xf32>,
        %swap3A_423 = arith.constant 3 : i32
        %swap3A_424 = arith.index_cast %scan3A_132 : i32 to index
        %swap3A_425 = arith.index_cast %swap3A_423 : i32 to index
        %swap3A_426 = arith.constant 48 : index
        %swap3A_427 = tpu.vector_load %arg9[%swap3A_424, %swap3A_425, %swap3A_426] {strides = array<i32>} : memref<32x8x128xf32, #tpu.memory_space<vmem>>, vector<16xf32>,
        tpu.vector_store %arg9[%swap3A_424, %swap3A_425, %swap3A_426], %gather3A_358 {strides = array<i32>} : memref<32x8x128xf32, #tpu.memory_space<vmem>>, vector<16xf32>,
        %gather3A_428 = arith.constant 3200 : i32
        %gather3A_429 = tpu.memref_slice %arg5[%gather3A_428] : memref<6400xf32, #tpu.memory_space<vmem>> -> memref<800xf32, #tpu.memory_space<vmem>>
        %gather3A_430 = tpu.vector_load_idx %gather3A_429[%add3A_163] : memref<800xf32, #tpu.memory_space<vmem>>[vector<16xi32>], vector<16xf32>,
        %swap3A_431 = arith.constant 3 : i32
        %swap3A_432 = arith.index_cast %scan3A_132 : i32 to index
        %swap3A_433 = arith.index_cast %swap3A_431 : i32 to index
        %swap3A_434 = arith.constant 64 : index
        %swap3A_435 = tpu.vector_load %arg9[%swap3A_432, %swap3A_433, %swap3A_434] {strides = array<i32>} : memref<32x8x128xf32, #tpu.memory_space<vmem>>, vector<16xf32>,
        tpu.vector_store %arg9[%swap3A_432, %swap3A_433, %swap3A_434], %gather3A_366 {strides = array<i32>} : memref<32x8x128xf32, #tpu.memory_space<vmem>>, vector<16xf32>,
        %gather3A_436 = arith.constant 3200 : i32
        %gather3A_437 = tpu.memref_slice %arg5[%gather3A_436] : memref<6400xf32, #tpu.memory_space<vmem>> -> memref<800xf32, #tpu.memory_space<vmem>>
        %gather3A_438 = tpu.vector_load_idx %gather3A_437[%add3A_169] : memref<800xf32, #tpu.memory_space<vmem>>[vector<16xi32>], vector<16xf32>,
        %swap3A_439 = arith.constant 3 : i32
        %swap3A_440 = arith.index_cast %scan3A_132 : i32 to index
        %swap3A_441 = arith.index_cast %swap3A_439 : i32 to index
        %swap3A_442 = arith.constant 80 : index
        %swap3A_443 = tpu.vector_load %arg9[%swap3A_440, %swap3A_441, %swap3A_442] {strides = array<i32>} : memref<32x8x128xf32, #tpu.memory_space<vmem>>, vector<16xf32>,
        tpu.vector_store %arg9[%swap3A_440, %swap3A_441, %swap3A_442], %gather3A_374 {strides = array<i32>} : memref<32x8x128xf32, #tpu.memory_space<vmem>>, vector<16xf32>,
        %gather3A_444 = arith.constant 3200 : i32
        %gather3A_445 = tpu.memref_slice %arg5[%gather3A_444] : memref<6400xf32, #tpu.memory_space<vmem>> -> memref<800xf32, #tpu.memory_space<vmem>>
        %gather3A_446 = tpu.vector_load_idx %gather3A_445[%add3A_175] : memref<800xf32, #tpu.memory_space<vmem>>[vector<16xi32>], vector<16xf32>,
        %swap3A_447 = arith.constant 3 : i32
        %swap3A_448 = arith.index_cast %scan3A_132 : i32 to index
        %swap3A_449 = arith.index_cast %swap3A_447 : i32 to index
        %swap3A_450 = arith.constant 96 : index
        %swap3A_451 = tpu.vector_load %arg9[%swap3A_448, %swap3A_449, %swap3A_450] {strides = array<i32>} : memref<32x8x128xf32, #tpu.memory_space<vmem>>, vector<16xf32>,
        tpu.vector_store %arg9[%swap3A_448, %swap3A_449, %swap3A_450], %gather3A_382 {strides = array<i32>} : memref<32x8x128xf32, #tpu.memory_space<vmem>>, vector<16xf32>,
        %gather3A_452 = arith.constant 3200 : i32
        %gather3A_453 = tpu.memref_slice %arg5[%gather3A_452] : memref<6400xf32, #tpu.memory_space<vmem>> -> memref<800xf32, #tpu.memory_space<vmem>>
        %gather3A_454 = tpu.vector_load_idx %gather3A_453[%add3A_181] : memref<800xf32, #tpu.memory_space<vmem>>[vector<16xi32>], vector<16xf32>,
        %swap3A_455 = arith.constant 3 : i32
        %swap3A_456 = arith.index_cast %scan3A_132 : i32 to index
        %swap3A_457 = arith.index_cast %swap3A_455 : i32 to index
        %swap3A_458 = arith.constant 112 : index
        %swap3A_459 = tpu.vector_load %arg9[%swap3A_456, %swap3A_457, %swap3A_458] {strides = array<i32>} : memref<32x8x128xf32, #tpu.memory_space<vmem>>, vector<16xf32>,
        tpu.vector_store %arg9[%swap3A_456, %swap3A_457, %swap3A_458], %gather3A_390 {strides = array<i32>} : memref<32x8x128xf32, #tpu.memory_space<vmem>>, vector<16xf32>,
        %gather3A_460 = arith.constant 4000 : i32
        %gather3A_461 = tpu.memref_slice %arg5[%gather3A_460] : memref<6400xf32, #tpu.memory_space<vmem>> -> memref<800xf32, #tpu.memory_space<vmem>>
        %gather3A_462 = tpu.vector_load_idx %gather3A_461[%add3A_139] : memref<800xf32, #tpu.memory_space<vmem>>[vector<16xi32>], vector<16xf32>,
        %swap3A_463 = arith.constant 4 : i32
        %swap3A_464 = arith.index_cast %scan3A_132 : i32 to index
        %swap3A_465 = arith.index_cast %swap3A_463 : i32 to index
        %swap3A_466 = arith.constant 0 : index
        %swap3A_467 = tpu.vector_load %arg9[%swap3A_464, %swap3A_465, %swap3A_466] {strides = array<i32>} : memref<32x8x128xf32, #tpu.memory_space<vmem>>, vector<16xf32>,
        tpu.vector_store %arg9[%swap3A_464, %swap3A_465, %swap3A_466], %gather3A_398 {strides = array<i32>} : memref<32x8x128xf32, #tpu.memory_space<vmem>>, vector<16xf32>,
        %gather3A_468 = arith.constant 4000 : i32
        %gather3A_469 = tpu.memref_slice %arg5[%gather3A_468] : memref<6400xf32, #tpu.memory_space<vmem>> -> memref<800xf32, #tpu.memory_space<vmem>>
        %gather3A_470 = tpu.vector_load_idx %gather3A_469[%add3A_145] : memref<800xf32, #tpu.memory_space<vmem>>[vector<16xi32>], vector<16xf32>,
        %swap3A_471 = arith.constant 4 : i32
        %swap3A_472 = arith.index_cast %scan3A_132 : i32 to index
        %swap3A_473 = arith.index_cast %swap3A_471 : i32 to index
        %swap3A_474 = arith.constant 16 : index
        %swap3A_475 = tpu.vector_load %arg9[%swap3A_472, %swap3A_473, %swap3A_474] {strides = array<i32>} : memref<32x8x128xf32, #tpu.memory_space<vmem>>, vector<16xf32>,
        tpu.vector_store %arg9[%swap3A_472, %swap3A_473, %swap3A_474], %gather3A_406 {strides = array<i32>} : memref<32x8x128xf32, #tpu.memory_space<vmem>>, vector<16xf32>,
        %gather3A_476 = arith.constant 4000 : i32
        %gather3A_477 = tpu.memref_slice %arg5[%gather3A_476] : memref<6400xf32, #tpu.memory_space<vmem>> -> memref<800xf32, #tpu.memory_space<vmem>>
        %gather3A_478 = tpu.vector_load_idx %gather3A_477[%add3A_151] : memref<800xf32, #tpu.memory_space<vmem>>[vector<16xi32>], vector<16xf32>,
        %swap3A_479 = arith.constant 4 : i32
        %swap3A_480 = arith.index_cast %scan3A_132 : i32 to index
        %swap3A_481 = arith.index_cast %swap3A_479 : i32 to index
        %swap3A_482 = arith.constant 32 : index
        %swap3A_483 = tpu.vector_load %arg9[%swap3A_480, %swap3A_481, %swap3A_482] {strides = array<i32>} : memref<32x8x128xf32, #tpu.memory_space<vmem>>, vector<16xf32>,
        tpu.vector_store %arg9[%swap3A_480, %swap3A_481, %swap3A_482], %gather3A_414 {strides = array<i32>} : memref<32x8x128xf32, #tpu.memory_space<vmem>>, vector<16xf32>,
        %gather3A_484 = arith.constant 4000 : i32
        %gather3A_485 = tpu.memref_slice %arg5[%gather3A_484] : memref<6400xf32, #tpu.memory_space<vmem>> -> memref<800xf32, #tpu.memory_space<vmem>>
        %gather3A_486 = tpu.vector_load_idx %gather3A_485[%add3A_157] : memref<800xf32, #tpu.memory_space<vmem>>[vector<16xi32>], vector<16xf32>,
        %swap3A_487 = arith.constant 4 : i32
        %swap3A_488 = arith.index_cast %scan3A_132 : i32 to index
        %swap3A_489 = arith.index_cast %swap3A_487 : i32 to index
        %swap3A_490 = arith.constant 48 : index
        %swap3A_491 = tpu.vector_load %arg9[%swap3A_488, %swap3A_489, %swap3A_490] {strides = array<i32>} : memref<32x8x128xf32, #tpu.memory_space<vmem>>, vector<16xf32>,
        tpu.vector_store %arg9[%swap3A_488, %swap3A_489, %swap3A_490], %gather3A_422 {strides = array<i32>} : memref<32x8x128xf32, #tpu.memory_space<vmem>>, vector<16xf32>,
        %gather3A_492 = arith.constant 4000 : i32
        %gather3A_493 = tpu.memref_slice %arg5[%gather3A_492] : memref<6400xf32, #tpu.memory_space<vmem>> -> memref<800xf32, #tpu.memory_space<vmem>>
        %gather3A_494 = tpu.vector_load_idx %gather3A_493[%add3A_163] : memref<800xf32, #tpu.memory_space<vmem>>[vector<16xi32>], vector<16xf32>,
        %swap3A_495 = arith.constant 4 : i32
        %swap3A_496 = arith.index_cast %scan3A_132 : i32 to index
        %swap3A_497 = arith.index_cast %swap3A_495 : i32 to index
        %swap3A_498 = arith.constant 64 : index
        %swap3A_499 = tpu.vector_load %arg9[%swap3A_496, %swap3A_497, %swap3A_498] {strides = array<i32>} : memref<32x8x128xf32, #tpu.memory_space<vmem>>, vector<16xf32>,
        tpu.vector_store %arg9[%swap3A_496, %swap3A_497, %swap3A_498], %gather3A_430 {strides = array<i32>} : memref<32x8x128xf32, #tpu.memory_space<vmem>>, vector<16xf32>,
        %gather3A_500 = arith.constant 4000 : i32
        %gather3A_501 = tpu.memref_slice %arg5[%gather3A_500] : memref<6400xf32, #tpu.memory_space<vmem>> -> memref<800xf32, #tpu.memory_space<vmem>>
        %gather3A_502 = tpu.vector_load_idx %gather3A_501[%add3A_169] : memref<800xf32, #tpu.memory_space<vmem>>[vector<16xi32>], vector<16xf32>,
        %swap3A_503 = arith.constant 4 : i32
        %swap3A_504 = arith.index_cast %scan3A_132 : i32 to index
        %swap3A_505 = arith.index_cast %swap3A_503 : i32 to index
        %swap3A_506 = arith.constant 80 : index
        %swap3A_507 = tpu.vector_load %arg9[%swap3A_504, %swap3A_505, %swap3A_506] {strides = array<i32>} : memref<32x8x128xf32, #tpu.memory_space<vmem>>, vector<16xf32>,
        tpu.vector_store %arg9[%swap3A_504, %swap3A_505, %swap3A_506], %gather3A_438 {strides = array<i32>} : memref<32x8x128xf32, #tpu.memory_space<vmem>>, vector<16xf32>,
        %gather3A_508 = arith.constant 4000 : i32
        %gather3A_509 = tpu.memref_slice %arg5[%gather3A_508] : memref<6400xf32, #tpu.memory_space<vmem>> -> memref<800xf32, #tpu.memory_space<vmem>>
        %gather3A_510 = tpu.vector_load_idx %gather3A_509[%add3A_175] : memref<800xf32, #tpu.memory_space<vmem>>[vector<16xi32>], vector<16xf32>,
        %swap3A_511 = arith.constant 4 : i32
        %swap3A_512 = arith.index_cast %scan3A_132 : i32 to index
        %swap3A_513 = arith.index_cast %swap3A_511 : i32 to index
        %swap3A_514 = arith.constant 96 : index
        %swap3A_515 = tpu.vector_load %arg9[%swap3A_512, %swap3A_513, %swap3A_514] {strides = array<i32>} : memref<32x8x128xf32, #tpu.memory_space<vmem>>, vector<16xf32>,
        tpu.vector_store %arg9[%swap3A_512, %swap3A_513, %swap3A_514], %gather3A_446 {strides = array<i32>} : memref<32x8x128xf32, #tpu.memory_space<vmem>>, vector<16xf32>,
        %gather3A_516 = arith.constant 4000 : i32
        %gather3A_517 = tpu.memref_slice %arg5[%gather3A_516] : memref<6400xf32, #tpu.memory_space<vmem>> -> memref<800xf32, #tpu.memory_space<vmem>>
        %gather3A_518 = tpu.vector_load_idx %gather3A_517[%add3A_181] : memref<800xf32, #tpu.memory_space<vmem>>[vector<16xi32>], vector<16xf32>,
        %swap3A_519 = arith.constant 4 : i32
        %swap3A_520 = arith.index_cast %scan3A_132 : i32 to index
        %swap3A_521 = arith.index_cast %swap3A_519 : i32 to index
        %swap3A_522 = arith.constant 112 : index
        %swap3A_523 = tpu.vector_load %arg9[%swap3A_520, %swap3A_521, %swap3A_522] {strides = array<i32>} : memref<32x8x128xf32, #tpu.memory_space<vmem>>, vector<16xf32>,
        tpu.vector_store %arg9[%swap3A_520, %swap3A_521, %swap3A_522], %gather3A_454 {strides = array<i32>} : memref<32x8x128xf32, #tpu.memory_space<vmem>>, vector<16xf32>,
        %gather3A_524 = arith.constant 4800 : i32
        %gather3A_525 = tpu.memref_slice %arg5[%gather3A_524] : memref<6400xf32, #tpu.memory_space<vmem>> -> memref<800xf32, #tpu.memory_space<vmem>>
        %gather3A_526 = tpu.vector_load_idx %gather3A_525[%add3A_139] : memref<800xf32, #tpu.memory_space<vmem>>[vector<16xi32>], vector<16xf32>,
        %swap3A_527 = arith.constant 5 : i32
        %swap3A_528 = arith.index_cast %scan3A_132 : i32 to index
        %swap3A_529 = arith.index_cast %swap3A_527 : i32 to index
        %swap3A_530 = arith.constant 0 : index
        %swap3A_531 = tpu.vector_load %arg9[%swap3A_528, %swap3A_529, %swap3A_530] {strides = array<i32>} : memref<32x8x128xf32, #tpu.memory_space<vmem>>, vector<16xf32>,
        tpu.vector_store %arg9[%swap3A_528, %swap3A_529, %swap3A_530], %gather3A_462 {strides = array<i32>} : memref<32x8x128xf32, #tpu.memory_space<vmem>>, vector<16xf32>,
        %gather3A_532 = arith.constant 4800 : i32
        %gather3A_533 = tpu.memref_slice %arg5[%gather3A_532] : memref<6400xf32, #tpu.memory_space<vmem>> -> memref<800xf32, #tpu.memory_space<vmem>>
        %gather3A_534 = tpu.vector_load_idx %gather3A_533[%add3A_145] : memref<800xf32, #tpu.memory_space<vmem>>[vector<16xi32>], vector<16xf32>,
        %swap3A_535 = arith.constant 5 : i32
        %swap3A_536 = arith.index_cast %scan3A_132 : i32 to index
        %swap3A_537 = arith.index_cast %swap3A_535 : i32 to index
        %swap3A_538 = arith.constant 16 : index
        %swap3A_539 = tpu.vector_load %arg9[%swap3A_536, %swap3A_537, %swap3A_538] {strides = array<i32>} : memref<32x8x128xf32, #tpu.memory_space<vmem>>, vector<16xf32>,
        tpu.vector_store %arg9[%swap3A_536, %swap3A_537, %swap3A_538], %gather3A_470 {strides = array<i32>} : memref<32x8x128xf32, #tpu.memory_space<vmem>>, vector<16xf32>,
        %gather3A_540 = arith.constant 4800 : i32
        %gather3A_541 = tpu.memref_slice %arg5[%gather3A_540] : memref<6400xf32, #tpu.memory_space<vmem>> -> memref<800xf32, #tpu.memory_space<vmem>>
        %gather3A_542 = tpu.vector_load_idx %gather3A_541[%add3A_151] : memref<800xf32, #tpu.memory_space<vmem>>[vector<16xi32>], vector<16xf32>,
        %swap3A_543 = arith.constant 5 : i32
        %swap3A_544 = arith.index_cast %scan3A_132 : i32 to index
        %swap3A_545 = arith.index_cast %swap3A_543 : i32 to index
        %swap3A_546 = arith.constant 32 : index
        %swap3A_547 = tpu.vector_load %arg9[%swap3A_544, %swap3A_545, %swap3A_546] {strides = array<i32>} : memref<32x8x128xf32, #tpu.memory_space<vmem>>, vector<16xf32>,
        tpu.vector_store %arg9[%swap3A_544, %swap3A_545, %swap3A_546], %gather3A_478 {strides = array<i32>} : memref<32x8x128xf32, #tpu.memory_space<vmem>>, vector<16xf32>,
        %gather3A_548 = arith.constant 4800 : i32
        %gather3A_549 = tpu.memref_slice %arg5[%gather3A_548] : memref<6400xf32, #tpu.memory_space<vmem>> -> memref<800xf32, #tpu.memory_space<vmem>>
        %gather3A_550 = tpu.vector_load_idx %gather3A_549[%add3A_157] : memref<800xf32, #tpu.memory_space<vmem>>[vector<16xi32>], vector<16xf32>,
        %swap3A_551 = arith.constant 5 : i32
        %swap3A_552 = arith.index_cast %scan3A_132 : i32 to index
        %swap3A_553 = arith.index_cast %swap3A_551 : i32 to index
        %swap3A_554 = arith.constant 48 : index
        %swap3A_555 = tpu.vector_load %arg9[%swap3A_552, %swap3A_553, %swap3A_554] {strides = array<i32>} : memref<32x8x128xf32, #tpu.memory_space<vmem>>, vector<16xf32>,
        tpu.vector_store %arg9[%swap3A_552, %swap3A_553, %swap3A_554], %gather3A_486 {strides = array<i32>} : memref<32x8x128xf32, #tpu.memory_space<vmem>>, vector<16xf32>,
        %gather3A_556 = arith.constant 4800 : i32
        %gather3A_557 = tpu.memref_slice %arg5[%gather3A_556] : memref<6400xf32, #tpu.memory_space<vmem>> -> memref<800xf32, #tpu.memory_space<vmem>>
        %gather3A_558 = tpu.vector_load_idx %gather3A_557[%add3A_163] : memref<800xf32, #tpu.memory_space<vmem>>[vector<16xi32>], vector<16xf32>,
        %swap3A_559 = arith.constant 5 : i32
        %swap3A_560 = arith.index_cast %scan3A_132 : i32 to index
        %swap3A_561 = arith.index_cast %swap3A_559 : i32 to index
        %swap3A_562 = arith.constant 64 : index
        %swap3A_563 = tpu.vector_load %arg9[%swap3A_560, %swap3A_561, %swap3A_562] {strides = array<i32>} : memref<32x8x128xf32, #tpu.memory_space<vmem>>, vector<16xf32>,
        tpu.vector_store %arg9[%swap3A_560, %swap3A_561, %swap3A_562], %gather3A_494 {strides = array<i32>} : memref<32x8x128xf32, #tpu.memory_space<vmem>>, vector<16xf32>,
        %gather3A_564 = arith.constant 4800 : i32
        %gather3A_565 = tpu.memref_slice %arg5[%gather3A_564] : memref<6400xf32, #tpu.memory_space<vmem>> -> memref<800xf32, #tpu.memory_space<vmem>>
        %gather3A_566 = tpu.vector_load_idx %gather3A_565[%add3A_169] : memref<800xf32, #tpu.memory_space<vmem>>[vector<16xi32>], vector<16xf32>,
        %swap3A_567 = arith.constant 5 : i32
        %swap3A_568 = arith.index_cast %scan3A_132 : i32 to index
        %swap3A_569 = arith.index_cast %swap3A_567 : i32 to index
        %swap3A_570 = arith.constant 80 : index
        %swap3A_571 = tpu.vector_load %arg9[%swap3A_568, %swap3A_569, %swap3A_570] {strides = array<i32>} : memref<32x8x128xf32, #tpu.memory_space<vmem>>, vector<16xf32>,
        tpu.vector_store %arg9[%swap3A_568, %swap3A_569, %swap3A_570], %gather3A_502 {strides = array<i32>} : memref<32x8x128xf32, #tpu.memory_space<vmem>>, vector<16xf32>,
        %gather3A_572 = arith.constant 4800 : i32
        %gather3A_573 = tpu.memref_slice %arg5[%gather3A_572] : memref<6400xf32, #tpu.memory_space<vmem>> -> memref<800xf32, #tpu.memory_space<vmem>>
        %gather3A_574 = tpu.vector_load_idx %gather3A_573[%add3A_175] : memref<800xf32, #tpu.memory_space<vmem>>[vector<16xi32>], vector<16xf32>,
        %swap3A_575 = arith.constant 5 : i32
        %swap3A_576 = arith.index_cast %scan3A_132 : i32 to index
        %swap3A_577 = arith.index_cast %swap3A_575 : i32 to index
        %swap3A_578 = arith.constant 96 : index
        %swap3A_579 = tpu.vector_load %arg9[%swap3A_576, %swap3A_577, %swap3A_578] {strides = array<i32>} : memref<32x8x128xf32, #tpu.memory_space<vmem>>, vector<16xf32>,
        tpu.vector_store %arg9[%swap3A_576, %swap3A_577, %swap3A_578], %gather3A_510 {strides = array<i32>} : memref<32x8x128xf32, #tpu.memory_space<vmem>>, vector<16xf32>,
        %gather3A_580 = arith.constant 4800 : i32
        %gather3A_581 = tpu.memref_slice %arg5[%gather3A_580] : memref<6400xf32, #tpu.memory_space<vmem>> -> memref<800xf32, #tpu.memory_space<vmem>>
        %gather3A_582 = tpu.vector_load_idx %gather3A_581[%add3A_181] : memref<800xf32, #tpu.memory_space<vmem>>[vector<16xi32>], vector<16xf32>,
        %swap3A_583 = arith.constant 5 : i32
        %swap3A_584 = arith.index_cast %scan3A_132 : i32 to index
        %swap3A_585 = arith.index_cast %swap3A_583 : i32 to index
        %swap3A_586 = arith.constant 112 : index
        %swap3A_587 = tpu.vector_load %arg9[%swap3A_584, %swap3A_585, %swap3A_586] {strides = array<i32>} : memref<32x8x128xf32, #tpu.memory_space<vmem>>, vector<16xf32>,
        tpu.vector_store %arg9[%swap3A_584, %swap3A_585, %swap3A_586], %gather3A_518 {strides = array<i32>} : memref<32x8x128xf32, #tpu.memory_space<vmem>>, vector<16xf32>,
        %gather3A_588 = arith.constant 5600 : i32
        %gather3A_589 = tpu.memref_slice %arg5[%gather3A_588] : memref<6400xf32, #tpu.memory_space<vmem>> -> memref<800xf32, #tpu.memory_space<vmem>>
        %gather3A_590 = tpu.vector_load_idx %gather3A_589[%add3A_139] : memref<800xf32, #tpu.memory_space<vmem>>[vector<16xi32>], vector<16xf32>,
        %swap3A_591 = arith.constant 6 : i32
        %swap3A_592 = arith.index_cast %scan3A_132 : i32 to index
        %swap3A_593 = arith.index_cast %swap3A_591 : i32 to index
        %swap3A_594 = arith.constant 0 : index
        %swap3A_595 = tpu.vector_load %arg9[%swap3A_592, %swap3A_593, %swap3A_594] {strides = array<i32>} : memref<32x8x128xf32, #tpu.memory_space<vmem>>, vector<16xf32>,
        tpu.vector_store %arg9[%swap3A_592, %swap3A_593, %swap3A_594], %gather3A_526 {strides = array<i32>} : memref<32x8x128xf32, #tpu.memory_space<vmem>>, vector<16xf32>,
        %gather3A_596 = arith.constant 5600 : i32
        %gather3A_597 = tpu.memref_slice %arg5[%gather3A_596] : memref<6400xf32, #tpu.memory_space<vmem>> -> memref<800xf32, #tpu.memory_space<vmem>>
        %gather3A_598 = tpu.vector_load_idx %gather3A_597[%add3A_145] : memref<800xf32, #tpu.memory_space<vmem>>[vector<16xi32>], vector<16xf32>,
        %swap3A_599 = arith.constant 6 : i32
        %swap3A_600 = arith.index_cast %scan3A_132 : i32 to index
        %swap3A_601 = arith.index_cast %swap3A_599 : i32 to index
        %swap3A_602 = arith.constant 16 : index
        %swap3A_603 = tpu.vector_load %arg9[%swap3A_600, %swap3A_601, %swap3A_602] {strides = array<i32>} : memref<32x8x128xf32, #tpu.memory_space<vmem>>, vector<16xf32>,
        tpu.vector_store %arg9[%swap3A_600, %swap3A_601, %swap3A_602], %gather3A_534 {strides = array<i32>} : memref<32x8x128xf32, #tpu.memory_space<vmem>>, vector<16xf32>,
        %gather3A_604 = arith.constant 5600 : i32
        %gather3A_605 = tpu.memref_slice %arg5[%gather3A_604] : memref<6400xf32, #tpu.memory_space<vmem>> -> memref<800xf32, #tpu.memory_space<vmem>>
        %gather3A_606 = tpu.vector_load_idx %gather3A_605[%add3A_151] : memref<800xf32, #tpu.memory_space<vmem>>[vector<16xi32>], vector<16xf32>,
        %swap3A_607 = arith.constant 6 : i32
        %swap3A_608 = arith.index_cast %scan3A_132 : i32 to index
        %swap3A_609 = arith.index_cast %swap3A_607 : i32 to index
        %swap3A_610 = arith.constant 32 : index
        %swap3A_611 = tpu.vector_load %arg9[%swap3A_608, %swap3A_609, %swap3A_610] {strides = array<i32>} : memref<32x8x128xf32, #tpu.memory_space<vmem>>, vector<16xf32>,
        tpu.vector_store %arg9[%swap3A_608, %swap3A_609, %swap3A_610], %gather3A_542 {strides = array<i32>} : memref<32x8x128xf32, #tpu.memory_space<vmem>>, vector<16xf32>,
        %gather3A_612 = arith.constant 5600 : i32
        %gather3A_613 = tpu.memref_slice %arg5[%gather3A_612] : memref<6400xf32, #tpu.memory_space<vmem>> -> memref<800xf32, #tpu.memory_space<vmem>>
        %gather3A_614 = tpu.vector_load_idx %gather3A_613[%add3A_157] : memref<800xf32, #tpu.memory_space<vmem>>[vector<16xi32>], vector<16xf32>,
        %swap3A_615 = arith.constant 6 : i32
        %swap3A_616 = arith.index_cast %scan3A_132 : i32 to index
        %swap3A_617 = arith.index_cast %swap3A_615 : i32 to index
        %swap3A_618 = arith.constant 48 : index
        %swap3A_619 = tpu.vector_load %arg9[%swap3A_616, %swap3A_617, %swap3A_618] {strides = array<i32>} : memref<32x8x128xf32, #tpu.memory_space<vmem>>, vector<16xf32>,
        tpu.vector_store %arg9[%swap3A_616, %swap3A_617, %swap3A_618], %gather3A_550 {strides = array<i32>} : memref<32x8x128xf32, #tpu.memory_space<vmem>>, vector<16xf32>,
        %gather3A_620 = arith.constant 5600 : i32
        %gather3A_621 = tpu.memref_slice %arg5[%gather3A_620] : memref<6400xf32, #tpu.memory_space<vmem>> -> memref<800xf32, #tpu.memory_space<vmem>>
        %gather3A_622 = tpu.vector_load_idx %gather3A_621[%add3A_163] : memref<800xf32, #tpu.memory_space<vmem>>[vector<16xi32>], vector<16xf32>,
        %swap3A_623 = arith.constant 6 : i32
        %swap3A_624 = arith.index_cast %scan3A_132 : i32 to index
        %swap3A_625 = arith.index_cast %swap3A_623 : i32 to index
        %swap3A_626 = arith.constant 64 : index
        %swap3A_627 = tpu.vector_load %arg9[%swap3A_624, %swap3A_625, %swap3A_626] {strides = array<i32>} : memref<32x8x128xf32, #tpu.memory_space<vmem>>, vector<16xf32>,
        tpu.vector_store %arg9[%swap3A_624, %swap3A_625, %swap3A_626], %gather3A_558 {strides = array<i32>} : memref<32x8x128xf32, #tpu.memory_space<vmem>>, vector<16xf32>,
        %gather3A_628 = arith.constant 5600 : i32
        %gather3A_629 = tpu.memref_slice %arg5[%gather3A_628] : memref<6400xf32, #tpu.memory_space<vmem>> -> memref<800xf32, #tpu.memory_space<vmem>>
        %gather3A_630 = tpu.vector_load_idx %gather3A_629[%add3A_169] : memref<800xf32, #tpu.memory_space<vmem>>[vector<16xi32>], vector<16xf32>,
        %swap3A_631 = arith.constant 6 : i32
        %swap3A_632 = arith.index_cast %scan3A_132 : i32 to index
        %swap3A_633 = arith.index_cast %swap3A_631 : i32 to index
        %swap3A_634 = arith.constant 80 : index
        %swap3A_635 = tpu.vector_load %arg9[%swap3A_632, %swap3A_633, %swap3A_634] {strides = array<i32>} : memref<32x8x128xf32, #tpu.memory_space<vmem>>, vector<16xf32>,
        tpu.vector_store %arg9[%swap3A_632, %swap3A_633, %swap3A_634], %gather3A_566 {strides = array<i32>} : memref<32x8x128xf32, #tpu.memory_space<vmem>>, vector<16xf32>,
        %gather3A_636 = arith.constant 5600 : i32
        %gather3A_637 = tpu.memref_slice %arg5[%gather3A_636] : memref<6400xf32, #tpu.memory_space<vmem>> -> memref<800xf32, #tpu.memory_space<vmem>>
        %gather3A_638 = tpu.vector_load_idx %gather3A_637[%add3A_175] : memref<800xf32, #tpu.memory_space<vmem>>[vector<16xi32>], vector<16xf32>,
        %swap3A_639 = arith.constant 6 : i32
        %swap3A_640 = arith.index_cast %scan3A_132 : i32 to index
        %swap3A_641 = arith.index_cast %swap3A_639 : i32 to index
        %swap3A_642 = arith.constant 96 : index
        %swap3A_643 = tpu.vector_load %arg9[%swap3A_640, %swap3A_641, %swap3A_642] {strides = array<i32>} : memref<32x8x128xf32, #tpu.memory_space<vmem>>, vector<16xf32>,
        tpu.vector_store %arg9[%swap3A_640, %swap3A_641, %swap3A_642], %gather3A_574 {strides = array<i32>} : memref<32x8x128xf32, #tpu.memory_space<vmem>>, vector<16xf32>,
        %gather3A_644 = arith.constant 5600 : i32
        %gather3A_645 = tpu.memref_slice %arg5[%gather3A_644] : memref<6400xf32, #tpu.memory_space<vmem>> -> memref<800xf32, #tpu.memory_space<vmem>>
        %gather3A_646 = tpu.vector_load_idx %gather3A_645[%add3A_181] : memref<800xf32, #tpu.memory_space<vmem>>[vector<16xi32>], vector<16xf32>,
        %swap3A_647 = arith.constant 6 : i32
        %swap3A_648 = arith.index_cast %scan3A_132 : i32 to index
        %swap3A_649 = arith.index_cast %swap3A_647 : i32 to index
        %swap3A_650 = arith.constant 112 : index
        %swap3A_651 = tpu.vector_load %arg9[%swap3A_648, %swap3A_649, %swap3A_650] {strides = array<i32>} : memref<32x8x128xf32, #tpu.memory_space<vmem>>, vector<16xf32>,
        tpu.vector_store %arg9[%swap3A_648, %swap3A_649, %swap3A_650], %gather3A_582 {strides = array<i32>} : memref<32x8x128xf32, #tpu.memory_space<vmem>>, vector<16xf32>,
        %swap3A_652 = arith.constant 7 : i32
        %swap3A_653 = arith.index_cast %scan3A_132 : i32 to index
        %swap3A_654 = arith.index_cast %swap3A_652 : i32 to index
        %swap3A_655 = arith.constant 0 : index
        %swap3A_656 = tpu.vector_load %arg9[%swap3A_653, %swap3A_654, %swap3A_655] {strides = array<i32>} : memref<32x8x128xf32, #tpu.memory_space<vmem>>, vector<16xf32>,
        tpu.vector_store %arg9[%swap3A_653, %swap3A_654, %swap3A_655], %gather3A_590 {strides = array<i32>} : memref<32x8x128xf32, #tpu.memory_space<vmem>>, vector<16xf32>,
        %swap3A_657 = arith.constant 7 : i32
        %swap3A_658 = arith.index_cast %scan3A_132 : i32 to index
        %swap3A_659 = arith.index_cast %swap3A_657 : i32 to index
        %swap3A_660 = arith.constant 16 : index
        %swap3A_661 = tpu.vector_load %arg9[%swap3A_658, %swap3A_659, %swap3A_660] {strides = array<i32>} : memref<32x8x128xf32, #tpu.memory_space<vmem>>, vector<16xf32>,
        tpu.vector_store %arg9[%swap3A_658, %swap3A_659, %swap3A_660], %gather3A_598 {strides = array<i32>} : memref<32x8x128xf32, #tpu.memory_space<vmem>>, vector<16xf32>,
        %swap3A_662 = arith.constant 7 : i32
        %swap3A_663 = arith.index_cast %scan3A_132 : i32 to index
        %swap3A_664 = arith.index_cast %swap3A_662 : i32 to index
        %swap3A_665 = arith.constant 32 : index
        %swap3A_666 = tpu.vector_load %arg9[%swap3A_663, %swap3A_664, %swap3A_665] {strides = array<i32>} : memref<32x8x128xf32, #tpu.memory_space<vmem>>, vector<16xf32>,
        tpu.vector_store %arg9[%swap3A_663, %swap3A_664, %swap3A_665], %gather3A_606 {strides = array<i32>} : memref<32x8x128xf32, #tpu.memory_space<vmem>>, vector<16xf32>,
        %swap3A_667 = arith.constant 7 : i32
        %swap3A_668 = arith.index_cast %scan3A_132 : i32 to index
        %swap3A_669 = arith.index_cast %swap3A_667 : i32 to index
        %swap3A_670 = arith.constant 48 : index
        %swap3A_671 = tpu.vector_load %arg9[%swap3A_668, %swap3A_669, %swap3A_670] {strides = array<i32>} : memref<32x8x128xf32, #tpu.memory_space<vmem>>, vector<16xf32>,
        tpu.vector_store %arg9[%swap3A_668, %swap3A_669, %swap3A_670], %gather3A_614 {strides = array<i32>} : memref<32x8x128xf32, #tpu.memory_space<vmem>>, vector<16xf32>,
        %swap3A_672 = arith.constant 7 : i32
        %swap3A_673 = arith.index_cast %scan3A_132 : i32 to index
        %swap3A_674 = arith.index_cast %swap3A_672 : i32 to index
        %swap3A_675 = arith.constant 64 : index
        %swap3A_676 = tpu.vector_load %arg9[%swap3A_673, %swap3A_674, %swap3A_675] {strides = array<i32>} : memref<32x8x128xf32, #tpu.memory_space<vmem>>, vector<16xf32>,
        tpu.vector_store %arg9[%swap3A_673, %swap3A_674, %swap3A_675], %gather3A_622 {strides = array<i32>} : memref<32x8x128xf32, #tpu.memory_space<vmem>>, vector<16xf32>,
        %swap3A_677 = arith.constant 7 : i32
        %swap3A_678 = arith.index_cast %scan3A_132 : i32 to index
        %swap3A_679 = arith.index_cast %swap3A_677 : i32 to index
        %swap3A_680 = arith.constant 80 : index
        %swap3A_681 = tpu.vector_load %arg9[%swap3A_678, %swap3A_679, %swap3A_680] {strides = array<i32>} : memref<32x8x128xf32, #tpu.memory_space<vmem>>, vector<16xf32>,
        tpu.vector_store %arg9[%swap3A_678, %swap3A_679, %swap3A_680], %gather3A_630 {strides = array<i32>} : memref<32x8x128xf32, #tpu.memory_space<vmem>>, vector<16xf32>,
        %swap3A_682 = arith.constant 7 : i32
        %swap3A_683 = arith.index_cast %scan3A_132 : i32 to index
        %swap3A_684 = arith.index_cast %swap3A_682 : i32 to index
        %swap3A_685 = arith.constant 96 : index
        %swap3A_686 = tpu.vector_load %arg9[%swap3A_683, %swap3A_684, %swap3A_685] {strides = array<i32>} : memref<32x8x128xf32, #tpu.memory_space<vmem>>, vector<16xf32>,
        tpu.vector_store %arg9[%swap3A_683, %swap3A_684, %swap3A_685], %gather3A_638 {strides = array<i32>} : memref<32x8x128xf32, #tpu.memory_space<vmem>>, vector<16xf32>,
        %swap3A_687 = arith.constant 7 : i32
        %swap3A_688 = arith.index_cast %scan3A_132 : i32 to index
        %swap3A_689 = arith.index_cast %swap3A_687 : i32 to index
        %swap3A_690 = arith.constant 112 : index
        %swap3A_691 = tpu.vector_load %arg9[%swap3A_688, %swap3A_689, %swap3A_690] {strides = array<i32>} : memref<32x8x128xf32, #tpu.memory_space<vmem>>, vector<16xf32>,
        tpu.vector_store %arg9[%swap3A_688, %swap3A_689, %swap3A_690], %gather3A_646 {strides = array<i32>} : memref<32x8x128xf32, #tpu.memory_space<vmem>>, vector<16xf32>,
      }
      %scan3A_121 = arith.constant 32 : i32
      %mul3A_122 = arith.constant 32 : i32
      %mul3A_123 = arith.muli %select_n3A_30, %mul3A_122 : i32
      %dma_start3A_124 = arith.constant 0 : i32
      %dma_start3A_125 = arith.constant 0 : i32
      %dma_start3A_126 = tpu.memref_slice %arg4[%add3A_101, %select_n3A, %mul3A_123, %dma_start3A_124, %dma_start3A_125] : memref<200x8x128x8x128xf32, #tpu.memory_space<hbm>> -> memref<1x1x32x8x128xf32, #tpu.memory_space<hbm>>
      %dma_start3A_127 = tpu.memref_squeeze %dma_start3A_126 : memref<1x1x32x8x128xf32, #tpu.memory_space<hbm>> -> memref<32x8x128xf32, #tpu.memory_space<hbm>>
      %dma_start3A_128 = arith.constant 0 : i32
      %dma_start3A_129 = arith.constant 0 : i32
      %dma_start3A_130 = tpu.memref_slice %arg4[%add3A_101, %select_n3A, %mul3A_123, %dma_start3A_128, %dma_start3A_129] : memref<200x8x128x8x128xf32, #tpu.memory_space<hbm>> -> memref<1x1x32x8x128xf32, #tpu.memory_space<hbm>>
      %dma_start3A_131 = tpu.memref_squeeze %dma_start3A_130 : memref<1x1x32x8x128xf32, #tpu.memory_space<hbm>> -> memref<32x8x128xf32, #tpu.memory_space<hbm>>
      tpu.enqueue_dma source(%arg9 : memref<32x8x128xf32, #tpu.memory_space<vmem>>) target(%dma_start3A_131 : memref<32x8x128xf32, #tpu.memory_space<hbm>>) target_semaphore(%arg13 : memref<!tpu.dma_semaphore, #tpu.memory_space<semaphore_mem>>)
    }
    %scan3A_43 = arith.constant 100 : i32
    %mul3A_44 = arith.constant 32 : i32
    %mul3A_45 = arith.muli %select_n3A_30, %mul3A_44 : i32
    %dma_wait3A = arith.constant 0 : i32
    %dma_wait3A_46 = arith.constant 0 : i32
    %dma_wait3A_47 = arith.constant 0 : i32
    %dma_wait3A_48 = tpu.memref_slice %arg4[%dma_wait3A, %select_n3A, %mul3A_45, %dma_wait3A_46, %dma_wait3A_47] : memref<200x8x128x8x128xf32, #tpu.memory_space<hbm>> -> memref<1x1x32x8x128xf32, #tpu.memory_space<hbm>>
    %dma_wait3A_49 = tpu.memref_squeeze %dma_wait3A_48 : memref<1x1x32x8x128xf32, #tpu.memory_space<hbm>> -> memref<32x8x128xf32, #tpu.memory_space<hbm>>
    %dma_wait3A_50 = arith.constant 0 : i32
    %dma_wait3A_51 = arith.constant 0 : i32
    %dma_wait3A_52 = tpu.memref_slice %arg4[%dma_wait3A, %select_n3A, %mul3A_45, %dma_wait3A_50, %dma_wait3A_51] : memref<200x8x128x8x128xf32, #tpu.memory_space<hbm>> -> memref<1x1x32x8x128xf32, #tpu.memory_space<hbm>>
    %dma_wait3A_53 = tpu.memref_squeeze %dma_wait3A_52 : memref<1x1x32x8x128xf32, #tpu.memory_space<hbm>> -> memref<32x8x128xf32, #tpu.memory_space<hbm>>
    tpu.wait_dma2 semaphore(%arg12 : memref<!tpu.dma_semaphore, #tpu.memory_space<semaphore_mem>>) src(%arg8 : memref<32x8x128xf32, #tpu.memory_space<vmem>>) dst(%dma_wait3A_53 : memref<32x8x128xf32, #tpu.memory_space<hbm>>)
    %mul3A_54 = arith.constant 32 : i32
    %mul3A_55 = arith.muli %select_n3A_30, %mul3A_54 : i32
    %dma_wait3A_56 = arith.constant 0 : i32
    %dma_wait3A_57 = arith.constant 0 : i32
    %dma_wait3A_58 = arith.constant 0 : i32
    %dma_wait3A_59 = tpu.memref_slice %arg4[%dma_wait3A_56, %select_n3A, %mul3A_55, %dma_wait3A_57, %dma_wait3A_58] : memref<200x8x128x8x128xf32, #tpu.memory_space<hbm>> -> memref<1x1x32x8x128xf32, #tpu.memory_space<hbm>>
    %dma_wait3A_60 = tpu.memref_squeeze %dma_wait3A_59 : memref<1x1x32x8x128xf32, #tpu.memory_space<hbm>> -> memref<32x8x128xf32, #tpu.memory_space<hbm>>
    %dma_wait3A_61 = arith.constant 0 : i32
    %dma_wait3A_62 = arith.constant 0 : i32
    %dma_wait3A_63 = tpu.memref_slice %arg4[%dma_wait3A_56, %select_n3A, %mul3A_55, %dma_wait3A_61, %dma_wait3A_62] : memref<200x8x128x8x128xf32, #tpu.memory_space<hbm>> -> memref<1x1x32x8x128xf32, #tpu.memory_space<hbm>>
    %dma_wait3A_64 = tpu.memref_squeeze %dma_wait3A_63 : memref<1x1x32x8x128xf32, #tpu.memory_space<hbm>> -> memref<32x8x128xf32, #tpu.memory_space<hbm>>
    tpu.wait_dma2 semaphore(%arg13 : memref<!tpu.dma_semaphore, #tpu.memory_space<semaphore_mem>>) src(%arg9 : memref<32x8x128xf32, #tpu.memory_space<vmem>>) dst(%dma_wait3A_64 : memref<32x8x128xf32, #tpu.memory_space<hbm>>)
    return
  }
}

</mosaic_0001>

<sc_bundles>
// kernel: kernel.3.cloned.1.call-start
scs
__scs_entry_jumppad:
0x0: {  	(pc) =	sbr.rel $0x88, $3  }
0x1: {  	(tag) =	ssettag $0x0;
	lr =	simm.s32 $0x1  }
0x2: {  	[smem:$0x3F9F] =	sst lr;
	_ =	strace $0xD0000000  }
0x3: {  	_ = 	snop  }
0x4: {  	_ = 	snop  }
0x5: {  	_ = 	snop  }
0x6: {  	_ = 	snop  }
0x7: {  	_ = 	snop  }
__scs_overlays_trampoline_lowered:
0x8: {  	[smem:$0x3FAE] =	sst s0  }
0x9: {  	[smem:$0x3FAF] =	sst s1  }
0xa: {  	[smem:$0x3FB0] =	sst s2  }
0xb: {  	[smem:$0x3FB1] =	sst s3  }
0xc: {  	[smem:$0x3FB2] =	sst s4  }
0xd: {  	[smem:$0x3FB3] =	sst s5  }
0xe: {  	[smem:$0x3FB4] =	sst s6  }
0xf: {  	[smem:$0x3FB5] =	sst s7  }
0x10: {  	[smem:$0x3FB6] =	sst s8  }
0x11: {  	[smem:$0x3FB7] =	sst s9;
	s0 =	simm.s32 @!p0 $0x0  }
0x12: {  	s1 =	sld [smem:$0x3F9D];
	s0 =	simm.s32 @p0 $0x1  }
0x13: {  	[smem:$0x3FB8] =	sst s0;
	s0 =	simm.s32 @!p1 $0x0  }
0x14: {  	s2 =	sld [smem:$0x3F9C];
	s0 =	simm.s32 @p1 $0x1  }
0x15: {  	[smem:$0x3FB9] =	sst s0;
	s0 =	simm.s32 @!p2 $0x0  }
0x16: {  	s3 =	sld [smem:$0x3FDB];
	s0 =	simm.s32 @p2 $0x1  }
0x17: {  	s4 =	simm.s32 $0x1BF5;
	[smem:$0x3FBB] =	sst s0  }
0x18: {  	s0 =	sld [smem:$0x3F9E];
	_ =	swait.ge [sflag:s4], $0x0  }
0x19: {  	s7 =	sld [smem:$0x3F9F]  }
0x1a: {  	s8 =	sadd.s32 $0xFFFFE003, lr  }
0x1b: {  	s9 =	sadd.s32 $0xFFFFFEF7, lr;
	s5 =	simm.s32 $0xFFFFFFFF;
	p2 =	slt.u32 s8, $0xFFFFF086  }
0x1c: {  	p1 =	slt.u32 s9, $0xF7A;
	s5 =	simm.s32 @!p2 $0x0  }
0x1d: {  	s5 =	simm.s32 @p1 $0x1;
	p0 =	seq.s32 s7, s2  }
0x1e: {  	s7 =	smul.u32 @!p0 $0xF7A, s2;
	p2 =	seq.s32 @!p0 s5, $0x0  }
0x1f: {  	s9 =	smul.u32 $0xF7A, s1;
	s8 =	simm.s32 @!p0 $0x1BF5;
	p2 =	por !p2, p0  }
0x20: {  	[sflag:s8] =	ssyncset.s32 @!p0 $0xFFFFF086;
	s6 =	sadd.s32 @!p0 s3, s7;
	s7 =	simm.s32 @!p0 $0x108  }
0x21: {  	s3 =	sadd.s32 s3, s9;
	s6 =	sadd.s32 @!p0 $0x88, s6;
	s7 =	simm.s32 @p2 $0x1082  }
0x22: {  	[simem:s7], [sflag:s8] =	dma.local @!p0 [hbm:s6], $0xF7A  }
0x23: {  	s9 =	sor.u32 $0xD0000000, s2;
	s6 =	simm.s32 $0x108;
	_ =	swait.ge @!p0 [sflag:s8], $0x0  }
0x24: {  	s3 =	sadd.s32 $0x88, s3;
	s6 =	simm.s32 @!p1 $0x1082;
	[sflag:s4] =	ssyncset.s32 $0xFFFFF086  }
0x25: {  	[simem:s6], [sflag:s4] =	dma.local [hbm:s3], $0xF7A  }
0x26: {  	[smem:$0x3F9F] =	sst s1;
	(tag) =	ssettag s2;
	_ =	strace s9  }
0x27: {  	s1 =	sld [smem:$0x3FAF]  }
0x28: {  	s2 =	sld [smem:$0x3FB0]  }
0x29: {  	s4 =	sld [smem:$0x3FB2]  }
0x2a: {  	p0 =	seq.s32 s5, $0x0;
	s5 =	sld [smem:$0x3FB3]  }
0x2b: {  	s6 =	sld [smem:$0x3FB4]  }
0x2c: {  	s7 =	sld [smem:$0x3FB5]  }
0x2d: {  	s3 =	simm.s32 $0x108;
	s8 =	sld [smem:$0x3FB6]  }
0x2e: {  	s3 =	simm.s32 @!p0 $0x1082;
	s9 =	sld [smem:$0x3FB7]  }
0x2f: {  	lr =	sadd.s32 s0, s3;
	s0 =	sld [smem:$0x3FAE]  }
0x30: {  	s3 =	sld [smem:$0x3FB1]  }
0x31: {  	[smem:$0x3FBA] =	sst s10  }
0x32: {  	s10 =	sld [smem:$0x3FB8];
	_ =	sdelay $0x3  }
0x33: {  	p0 =	seq.s32 s10, $0x1;
	s10 =	sld [smem:$0x3FBA];
	_ =	sdelay $0x3  }
0x34: {  	[smem:$0x3FBA] =	sst s10  }
0x35: {  	s10 =	sld [smem:$0x3FB9];
	_ =	sdelay $0x3  }
0x36: {  	p1 =	seq.s32 s10, $0x1;
	s10 =	sld [smem:$0x3FBA];
	_ =	sdelay $0x3  }
0x37: {  	[smem:$0x3FBA] =	sst s10  }
0x38: {  	s10 =	sld [smem:$0x3FBB]  }
0x39: {  	_ = 	snop;
	(pc) =	sbr.ind lr, $3  }
0x3a: {  	_ = 	snop  }
0x3b: {  	_ = 	snop  }
0x3c: {  	p2 =	seq.s32 s10, $0x1;
	s10 =	sld [smem:$0x3FBA]  }
0x3d: {  	_ =	shalt  }
0x3e: {  	_ =	shalt  }
0x3f: {  	_ =	shalt  }
0x40: {  	_ =	shalt  }
0x41: {  	_ =	shalt  }
0x42: {  	_ =	shalt  }
0x43: {  	_ =	shalt  }
0x44: {  	_ =	shalt  }
0x45: {  	_ =	shalt  }
0x46: {  	_ =	shalt  }
0x47: {  	_ =	shalt  }
0x48: {  	_ =	shalt  }
0x49: {  	_ =	shalt  }
0x4a: {  	_ =	shalt  }
0x4b: {  	_ =	shalt  }
0x4c: {  	_ =	shalt  }
0x4d: {  	_ =	shalt  }
0x4e: {  	_ =	shalt  }
0x4f: {  	_ =	shalt  }
0x50: {  	_ =	shalt  }
0x51: {  	_ =	shalt  }
0x52: {  	_ =	shalt  }
0x53: {  	_ =	shalt  }
0x54: {  	_ =	shalt  }
0x55: {  	_ =	shalt  }
0x56: {  	_ =	shalt  }
0x57: {  	_ =	shalt  }
0x58: {  	_ =	shalt  }
0x59: {  	_ =	shalt  }
0x5a: {  	_ =	shalt  }
0x5b: {  	_ =	shalt  }
0x5c: {  	_ =	shalt  }
0x5d: {  	_ =	shalt  }
0x5e: {  	_ =	shalt  }
0x5f: {  	_ =	shalt  }
0x60: {  	_ =	shalt  }
0x61: {  	_ =	shalt  }
0x62: {  	_ =	shalt  }
0x63: {  	_ =	shalt  }
0x64: {  	_ =	shalt  }
0x65: {  	_ =	shalt  }
0x66: {  	_ =	shalt  }
0x67: {  	_ =	shalt  }
0x68: {  	_ =	shalt  }
0x69: {  	_ =	shalt  }
0x6a: {  	_ =	shalt  }
0x6b: {  	_ =	shalt  }
0x6c: {  	_ =	shalt  }
0x6d: {  	_ =	shalt  }
0x6e: {  	_ =	shalt  }
0x6f: {  	_ =	shalt  }
0x70: {  	_ =	shalt  }
0x71: {  	_ =	shalt  }
0x72: {  	_ =	shalt  }
0x73: {  	_ =	shalt  }
0x74: {  	_ =	shalt  }
0x75: {  	_ =	shalt  }
0x76: {  	_ =	shalt  }
0x77: {  	_ =	shalt  }
0x78: {  	_ =	shalt  }
0x79: {  	_ =	shalt  }
0x7a: {  	_ =	shalt  }
0x7b: {  	_ =	shalt  }
0x7c: {  	_ =	shalt  }
0x7d: {  	_ =	shalt  }
0x7e: {  	_ =	shalt  }
0x7f: {  	_ =	shalt  }
0x80: {  	_ =	shalt  }
0x81: {  	_ =	shalt  }
0x82: {  	_ =	shalt  }
0x83: {  	_ =	shalt  }
0x84: {  	_ =	shalt  }
0x85: {  	_ =	shalt  }
0x86: {  	_ =	shalt  }
0x87: {  	_ =	shalt  }
.Lfunc_end0:
.L_simem_size_0:
called_computation_lowered:
.L_overlay_start_0:
0x88: {  	s2 =	sld [smem:$0x3FD9]  }
0x89: {  	s3 =	sld [smem:$0x3FFE];
	_ =	sdelay $0x1  }
0x8a: {  	s1 =	srdreg.scid  }
0x8b: {  	s0 =	sand.u32 $0x1, s1  }
0x8c: {  	s17 =	sshll.u32 s0, $0xA;
	s2 =	sadd.s32 s3, s2  }
0x8d: {  	s2 =	sadd.s32 s2, s17  }
0x8e: {  	[smem:$0x3FC6] =	sst s2  }
0x8f: {  	_ = 	snop  }
0x90: {  	s2 =	sld [smem:$0x3FD0];
	(tm) =	ssettm $0x1  }
0x91: {  	s18 =	sld [smem:$0x3FFB];
	_ =	sdelay $0x3  }
0x92: {  	_ =	strace s18  }
0x93: {  	s3 =	sld [smem:$0x3FFC];
	_ =	sdelay $0x3  }
0x94: {  	_ =	strace s3  }
0x95: {  	s3 =	sld [smem:$0x3FFD];
	_ =	sdelay $0x3  }
0x96: {  	_ =	strace s3  }
0x97: {  	_ =	strace $0x8FFFFFFF  }
0x98: {  	s19 =	sld [smem:$0x3FDB];
	_ =	sdelay $0x1  }
0x99: {  	s4 =	simm.s32 $_scs_section_size  }
0x9a: {  	s5 =	simm.s32 $_size__tile_overlayer_lowered;
	s6 =	simm.s32 $_tile_overlayer_lowered  }
0x9b: {  	s22 =	simm.s32 $0x1BFF;
	s21 =	sshll.u32 s6, $0x1;
	s3 =	sadd.s32 s4, s19  }
0x9c: {  	s7 =	simm.s32 $0x0;
	s20 =	sshll.u32 s5, $0x1;
	s5 =	sadd.s32 s21, s3  }
0x9d: {  	[timem:s7], [sflag:s22] =	dma.local [hbm:s5], s20  }
0x9e: {  	_ =	swait.ge [sflag:s22], s20  }
0x9f: {  	s4 =	ssub.s32 $0x0, s20;
	[sflag:s22] =	ssyncset.done $0x0  }
0xa0: {  	[sflag:s22] =	ssyncadd.s32 s4;
	_ =	sdelay $0x1  }
0xa1: {  	s23 =	simm.s32 $0x1B8B  }
0xa2: {  	_ =	swait.ge [sflag:s23], $0x1  }
0xa3: {  	[sflag:s23] =	ssyncset.done $0x0  }
0xa4: {  	s25 =	simm.s32 $0x1B8E;
	s24 =	sld [smem:$0x3FFE];
	[sflag:s23] =	ssyncadd.s32 $0xFFFFFFFF  }
0xa5: {  	s26 =	simm.s32 $execute0_lowered;
	[smem:$0x3FD2] =	sst s25  }
0xa6: {  	s5 =	sshll.u32 s26, $0x1;
	_ =	strace $0x80000046;
	[dreg:$0x1] =	wrdreg $0xFFFFFFFF  }
0xa7: {  	s28 =	simm.s32 $_size_execute0_lowered;
	s3 =	sadd.s32 s3, s5;
	[dreg:$0x0] =	wrdreg $0x0  }
0xa8: {  	s5 =	sshll.u32 s28, $0x1;
	[dreg:$0x2] =	wrdreg s3  }
0xa9: {  	[dreg:$0x3] =	wrdreg s5  }
0xaa: {  	[dreg:$0x4] =	wrdreg $0xC0  }
0xab: {  	_ =	task [dreg:s7], $0x5FFFF  }
0xac: {  	[dreg:$0x1] =	wrdreg $0xFFFFFFFF  }
0xad: {  	[dreg:$0x0] =	wrdreg $0x60  }
0xae: {  	[dreg:$0x2] =	wrdreg s24  }
0xaf: {  	[dreg:$0x3] =	wrdreg s2  }
0xb0: {  	[dreg:$0x4] =	wrdreg $0x9  }
0xb1: {  	_ =	task.clear_ibuf [dreg:s7], $0x5FFFF;
	_ =	strace $0x90000046  }
0xb2: {  	s29 =	simm.s32 $0x9;
	_ =	strace $0x80000048  }
0xb3: {  	_ =	swait.ge [sflag:s29], $0x1  }
0xb4: {  	[sflag:s29] =	ssyncadd.s32 $0xFFFFFFFF  }
0xb5: {  	_ =	strace $0x90000048  }
0xb6: {  	_ =	sfence  }
0xb7: {  	s30 =	sld [smem:$0x0];
	_ =	sdelay $0x2  }
0xb8: {  	s31 =	sshll.u32 s1, $0xD;
	s1 =	sshrl.u32 s1, $0x2  }
0xb9: {  	s3 =	sand.u32 $0x4000, s31;
	s1 =	sadd.s32 s1, s30  }
0xba: {  	s0 =	sor.u32 s3, s0;
	s1 =	sshll.u32 s1, $0x11  }
0xbb: {  	s0 =	sor.u32 s1, s0  }
0xbc: {  	s0 =	sadd.s32 $0x8F2B, s0  }
0xbd: {  	[sflag:s0] =	ssyncadd.remote.s32 $0x1  }
0xbe: {  	_ =	sfence.sel $0xFFFF  }
0xbf: {  	[dreg:$0x0] =	wrdreg $0xFFFFFFFF;
	(pc) =	sbr.abs _section_cstart, $3  }
0xc0: {  	[dreg:$0x1] =	wrdreg $0xFFFFFFFF  }
0xc1: {  	_ =	task.clear_ibuf [dreg:s7], $0x2FFFF;
	_ =	strace $0x9FFFFFFF  }
0xc2: {  	(tm) =	ssettm $0x7FFFFFFF  }
0xc3: {  	_ =	shalt  }
tec
execute0_lowered:
.L_overlay_start_1:
0x0: {  	(tag) =	ssettag $0x1  }
0x1: {  	s0 =	rddreg [dreg:$0x0]  }
0x2: {  	s1 =	rddreg [dreg:$0x1];
	s3 =	simm.s32 $0x0;
	s4 =	srdreg.scid  }
0x3: {  	s2 =	stileid.u32;
	s12 =	simm.s32 $0x1900;
	s13 =	simm.s32 $0x1  }
0x4: {  	s14 =	simm.s32 $0x2900;
	s15 =	simm.s32 $0x320;
	s16 =	simm.s32 $0x640  }
0x5: {  	s17 =	simm.s32 $0x960;
	s18 =	simm.s32 $0xC80;
	s19 =	simm.s32 $0xFA0  }
0x6: {  	s20 =	simm.s32 $0x12C0;
	s21 =	simm.s32 $0x15E0;
	s22 =	simm.s32 $0x3900  }
0x7: {  	s23 =	simm.s32 $0x2;
	s24 =	simm.s32 $0xB900;
	s26 =	simm.s32 $0x4  }
0x8: {  	s28 =	simm.s32 $0x0;
	[smem:$0x7FF] =	sst s3;
	s6 =	sand.u32 $0x1, s4  }
0x9: {  	s5 =	sshll.u32 s2, $0x1;
	s4 =	sadd.s32 $0x800, s0;
	s10 =	sshrl.u32 s2, $0x1  }
0xa: {  	_ =	strace $0x80000047;
	s7 =	ssub.s32 $0x2, s6;
	s9 =	sand.u32 $0x2, s5  }
0xb: {  	s5 =	sadd.s32 $0x400, s0;
	s25 =	smul.u32 $0x64, s10;
	s8 =	sshrl.u32 s7, $0x1  }
0xc: {  	s10 =	sshll.u32 s10, $0x11;
	s9 =	sor.u32 s6, s9;
	s30 =	ssub.s32 s7, s8  }
0xd: {  	s6 =	sshll.u32 s9, $0xC;
	s31 =	sshll.u32 s9, $0x9;
	s11 =	sshll.u32 s9, $0xF  }
0xe: {  	v0 =	vmov s25;
	s25 =	simm.s32 $0x3;
	s7 =	sadd.s32 s4, s31;
	s8 =	sor.u32 $0x8000, s6  }
0xf: {  	s9 =	smax.u32 s30, $0x1;
	s10 =	sor.u32 s11, s10;
	s11 =	simm.s32 $0x5  }
.LBB2_1:
0x10: {  	[tilespmem:s3], [sflag:$0x5] =	stream.linear.gather [hbm4b:s5+s3], $0x1900, $0x38;
	[tilespmem:$0x13900] =	vst v63  }
0x11: {  	_ =	swait.ge [sflag:s11], $0x1900  }
0x12: {  	[sflag:s11] =	ssyncset.done $0x0  }
0x13: {  	s29 =	simm.s32 $0x0;
	[sflag:s11] =	ssyncadd.s32 $0xFFFFE700  }
0x14: {  	[tilespmem:s12], [sflag:$0x1] =	stream.linear.gather [hbm4b:s7+s3], $0x1000, $0x38;
	[tilespmem:$0x13900] =	vst v63  }
.LBB2_2:
0x15: {  	s30 =	sshllo.u32 s29, $0x1  }
0x16: {  	s0 =	sshll.u32 s30, $0xE  }
0x17: {  	_ =	swait.ge [sflag:s13], $0x1000;
	s0 =	sor.u32 s6, s0  }
0x18: {  	[sflag:s13] =	ssyncset.done $0x0;
	s0 =	sshrl.u32 s0, $0x3  }
0x19: {  	p0 =	seq.s32 s29, $0x0;
	[sflag:s13] =	ssyncadd.s32 $0xFFFFF000;
	s0 =	sadd.s32 s4, s0  }
0x1a: {  	[tilespmem:s14], [sflag:$0x2] =	stream.linear.gather [hbm4b:s0+s3], $0x1000, $0x38;
	[tilespmem:$0x13900] =	vst v63  }
0x1b: {  	s0 =	simm.s32 @!p0 $0x3  }
0x1c: {  	_ =	swait.ge @!p0 [sflag:s0], $0x8000  }
0x1d: {  	[sflag:s0] =	ssyncset.done @!p0 $0x0  }
0x1e: {  	s31 =	simm.s32 $0x0;
	[sflag:s0] =	ssyncadd.s32 @!p0 $0xFFFF8000;
	s0 =	simm.s32 $0x3B00  }
.LBB2_3:
0x1f: {  	s2 =	sshra.s32 s31, $0x2  }
0x20: {  	v1 =	vld [tilespmem:s2+$0x1900]  }
0x21: {  	v2 =	vld [tilespmem:s2+$0x1910]  }
0x22: {  	v3 =	vld [tilespmem:s2+$0x1920]  }
0x23: {  	v4 =	vld [tilespmem:s2+$0x1930]  }
0x24: {  	v5 =	vld [tilespmem:s2+$0x1940]  }
0x25: {  	v6 =	vld [tilespmem:s2+$0x1950];
	v1 =	vadd.s32 v0, v1  }
0x26: {  	v7 =	vld [tilespmem:s2+$0x1960];
	v2 =	vadd.s32 v0, v2  }
0x27: {  	v8 =	vld [tilespmem:s2+$0x1970];
	v3 =	vadd.s32 v0, v3  }
0x28: {  	v4 =	vadd.s32 v0, v4  }
0x29: {  	v5 =	vadd.s32 v0, v5  }
0x2a: {  	v6 =	vadd.s32 v0, v6;
	v9 =	vld.idx.msk [tilespmem:v1+s3+$0x0], $0xffff  }
0x2b: {  	v7 =	vadd.s32 v0, v7;
	v10 =	vld.idx.msk [tilespmem:v2+s3+$0x0], $0xffff  }
0x2c: {  	v8 =	vadd.s32 v0, v8;
	v11 =	vld.idx.msk [tilespmem:v3+s3+$0x0], $0xffff  }
0x2d: {  	v12 =	vld.idx.msk [tilespmem:v4+s3+$0x0], $0xffff  }
0x2e: {  	v13 =	vld.idx.msk [tilespmem:v5+s3+$0x0], $0xffff  }
0x2f: {  	v14 =	vld.idx.msk [tilespmem:v6+s3+$0x0], $0xffff  }
0x30: {  	v15 =	vld.idx.msk [tilespmem:v7+s3+$0x0], $0xffff  }
0x31: {  	v16 =	vld.idx.msk [tilespmem:v8+s3+$0x0], $0xffff  }
0x32: {  	v17 =	vld.idx.msk [tilespmem:v1+s15+$0x0], $0xffff;
	[tilespmem:s0+$0xFFFFFE00] =	vst v9  }
0x33: {  	v9 =	vld.idx.msk [tilespmem:v2+s15+$0x0], $0xffff;
	[tilespmem:s0+$0xFFFFFE10] =	vst v10  }
0x34: {  	v10 =	vld.idx.msk [tilespmem:v3+s15+$0x0], $0xffff;
	[tilespmem:s0+$0xFFFFFE20] =	vst v11  }
0x35: {  	v11 =	vld.idx.msk [tilespmem:v4+s15+$0x0], $0xffff;
	[tilespmem:s0+$0xFFFFFE30] =	vst v12  }
0x36: {  	v12 =	vld.idx.msk [tilespmem:v5+s15+$0x0], $0xffff;
	[tilespmem:s0+$0xFFFFFE40] =	vst v13  }
0x37: {  	v13 =	vld.idx.msk [tilespmem:v6+s15+$0x0], $0xffff;
	[tilespmem:s0+$0xFFFFFE50] =	vst v14  }
0x38: {  	v14 =	vld.idx.msk [tilespmem:v7+s15+$0x0], $0xffff;
	[tilespmem:s0+$0xFFFFFE60] =	vst v15  }
0x39: {  	v15 =	vld.idx.msk [tilespmem:v8+s15+$0x0], $0xffff;
	[tilespmem:s0+$0xFFFFFE70] =	vst v16  }
0x3a: {  	v16 =	vld.idx.msk [tilespmem:v1+s16+$0x0], $0xffff;
	[tilespmem:s0+$0xFFFFFE80] =	vst v17  }
0x3b: {  	v17 =	vld.idx.msk [tilespmem:v2+s16+$0x0], $0xffff;
	[tilespmem:s0+$0xFFFFFE90] =	vst v9  }
0x3c: {  	v9 =	vld.idx.msk [tilespmem:v3+s16+$0x0], $0xffff;
	[tilespmem:s0+$0xFFFFFEA0] =	vst v10  }
0x3d: {  	v10 =	vld.idx.msk [tilespmem:v4+s16+$0x0], $0xffff;
	[tilespmem:s0+$0xFFFFFEB0] =	vst v11  }
0x3e: {  	v11 =	vld.idx.msk [tilespmem:v5+s16+$0x0], $0xffff;
	[tilespmem:s0+$0xFFFFFEC0] =	vst v12  }
0x3f: {  	v12 =	vld.idx.msk [tilespmem:v6+s16+$0x0], $0xffff;
	[tilespmem:s0+$0xFFFFFED0] =	vst v13  }
0x40: {  	v13 =	vld.idx.msk [tilespmem:v7+s16+$0x0], $0xffff;
	[tilespmem:s0+$0xFFFFFEE0] =	vst v14  }
0x41: {  	v14 =	vld.idx.msk [tilespmem:v8+s16+$0x0], $0xffff;
	[tilespmem:s0+$0xFFFFFEF0] =	vst v15  }
0x42: {  	v15 =	vld.idx.msk [tilespmem:v1+s17+$0x0], $0xffff;
	[tilespmem:s0+$0xFFFFFF00] =	vst v16  }
0x43: {  	v16 =	vld.idx.msk [tilespmem:v2+s17+$0x0], $0xffff;
	[tilespmem:s0+$0xFFFFFF10] =	vst v17  }
0x44: {  	v17 =	vld.idx.msk [tilespmem:v3+s17+$0x0], $0xffff;
	[tilespmem:s0+$0xFFFFFF20] =	vst v9  }
0x45: {  	v9 =	vld.idx.msk [tilespmem:v4+s17+$0x0], $0xffff;
	[tilespmem:s0+$0xFFFFFF30] =	vst v10  }
0x46: {  	v10 =	vld.idx.msk [tilespmem:v5+s17+$0x0], $0xffff;
	[tilespmem:s0+$0xFFFFFF40] =	vst v11  }
0x47: {  	v11 =	vld.idx.msk [tilespmem:v6+s17+$0x0], $0xffff;
	[tilespmem:s0+$0xFFFFFF50] =	vst v12  }
0x48: {  	v12 =	vld.idx.msk [tilespmem:v7+s17+$0x0], $0xffff;
	[tilespmem:s0+$0xFFFFFF60] =	vst v13  }
0x49: {  	v13 =	vld.idx.msk [tilespmem:v8+s17+$0x0], $0xffff;
	[tilespmem:s0+$0xFFFFFF70] =	vst v14  }
0x4a: {  	v14 =	vld.idx.msk [tilespmem:v1+s18+$0x0], $0xffff;
	[tilespmem:s0+$0xFFFFFF80] =	vst v15  }
0x4b: {  	v15 =	vld.idx.msk [tilespmem:v2+s18+$0x0], $0xffff;
	[tilespmem:s0+$0xFFFFFF90] =	vst v16  }
0x4c: {  	v16 =	vld.idx.msk [tilespmem:v3+s18+$0x0], $0xffff;
	[tilespmem:s0+$0xFFFFFFA0] =	vst v17  }
0x4d: {  	v17 =	vld.idx.msk [tilespmem:v4+s18+$0x0], $0xffff;
	[tilespmem:s0+$0xFFFFFFB0] =	vst v9  }
0x4e: {  	v9 =	vld.idx.msk [tilespmem:v5+s18+$0x0], $0xffff;
	[tilespmem:s0+$0xFFFFFFC0] =	vst v10  }
0x4f: {  	v10 =	vld.idx.msk [tilespmem:v6+s18+$0x0], $0xffff;
	[tilespmem:s0+$0xFFFFFFD0] =	vst v11  }
0x50: {  	v11 =	vld.idx.msk [tilespmem:v7+s18+$0x0], $0xffff;
	[tilespmem:s0+$0xFFFFFFE0] =	vst v12  }
0x51: {  	v12 =	vld.idx.msk [tilespmem:v8+s18+$0x0], $0xffff;
	[tilespmem:s0+$0xFFFFFFF0] =	vst v13  }
0x52: {  	v13 =	vld.idx.msk [tilespmem:v1+s19+$0x0], $0xffff;
	[tilespmem:s0+$0x0] =	vst v14  }
0x53: {  	v14 =	vld.idx.msk [tilespmem:v2+s19+$0x0], $0xffff;
	[tilespmem:s0+$0x10] =	vst v15  }
0x54: {  	v15 =	vld.idx.msk [tilespmem:v3+s19+$0x0], $0xffff;
	[tilespmem:s0+$0x20] =	vst v16  }
0x55: {  	v16 =	vld.idx.msk [tilespmem:v4+s19+$0x0], $0xffff;
	[tilespmem:s0+$0x30] =	vst v17  }
0x56: {  	v17 =	vld.idx.msk [tilespmem:v5+s19+$0x0], $0xffff;
	[tilespmem:s0+$0x40] =	vst v9  }
0x57: {  	v9 =	vld.idx.msk [tilespmem:v6+s19+$0x0], $0xffff;
	[tilespmem:s0+$0x50] =	vst v10  }
0x58: {  	v10 =	vld.idx.msk [tilespmem:v7+s19+$0x0], $0xffff;
	[tilespmem:s0+$0x60] =	vst v11  }
0x59: {  	v11 =	vld.idx.msk [tilespmem:v8+s19+$0x0], $0xffff;
	[tilespmem:s0+$0x70] =	vst v12  }
0x5a: {  	v12 =	vld.idx.msk [tilespmem:v1+s20+$0x0], $0xffff;
	[tilespmem:s0+$0x80] =	vst v13  }
0x5b: {  	v13 =	vld.idx.msk [tilespmem:v2+s20+$0x0], $0xffff;
	[tilespmem:s0+$0x90] =	vst v14  }
0x5c: {  	v14 =	vld.idx.msk [tilespmem:v3+s20+$0x0], $0xffff;
	[tilespmem:s0+$0xA0] =	vst v15  }
0x5d: {  	v15 =	vld.idx.msk [tilespmem:v4+s20+$0x0], $0xffff;
	[tilespmem:s0+$0xB0] =	vst v16  }
0x5e: {  	v16 =	vld.idx.msk [tilespmem:v5+s20+$0x0], $0xffff;
	[tilespmem:s0+$0xC0] =	vst v17  }
0x5f: {  	v17 =	vld.idx.msk [tilespmem:v6+s20+$0x0], $0xffff;
	[tilespmem:s0+$0xD0] =	vst v9  }
0x60: {  	v9 =	vld.idx.msk [tilespmem:v7+s20+$0x0], $0xffff;
	[tilespmem:s0+$0xE0] =	vst v10  }
0x61: {  	v10 =	vld.idx.msk [tilespmem:v8+s20+$0x0], $0xffff;
	[tilespmem:s0+$0xF0] =	vst v11  }
0x62: {  	v1 =	vld.idx.msk [tilespmem:v1+s21+$0x0], $0xffff;
	[tilespmem:s0+$0x100] =	vst v12  }
0x63: {  	v2 =	vld.idx.msk [tilespmem:v2+s21+$0x0], $0xffff;
	[tilespmem:s0+$0x110] =	vst v13  }
0x64: {  	v3 =	vld.idx.msk [tilespmem:v3+s21+$0x0], $0xffff;
	[tilespmem:s0+$0x120] =	vst v14  }
0x65: {  	v4 =	vld.idx.msk [tilespmem:v4+s21+$0x0], $0xffff;
	[tilespmem:s0+$0x130] =	vst v15  }
0x66: {  	v5 =	vld.idx.msk [tilespmem:v5+s21+$0x0], $0xffff;
	[tilespmem:s0+$0x140] =	vst v16  }
0x67: {  	v6 =	vld.idx.msk [tilespmem:v6+s21+$0x0], $0xffff;
	[tilespmem:s0+$0x150] =	vst v17  }
0x68: {  	v7 =	vld.idx.msk [tilespmem:v7+s21+$0x0], $0xffff;
	[tilespmem:s0+$0x160] =	vst v9  }
0x69: {  	v8 =	vld.idx.msk [tilespmem:v8+s21+$0x0], $0xffff;
	[tilespmem:s0+$0x170] =	vst v10  }
0x6a: {  	[tilespmem:s0+$0x180] =	vst v1  }
0x6b: {  	[tilespmem:s0+$0x190] =	vst v2  }
0x6c: {  	p0 =	sne.s32 s31, $0x3E00;
	[tilespmem:s0+$0x1A0] =	vst v3  }
.Ltmp0:
0x6d: {  	[tilespmem:s0+$0x1B0] =	vst v4;
	(pc) =	sbr.rel @p0 .LBB2_3-.Ltmp0, $4  }
0x6e: {  	[tilespmem:s0+$0x1C0] =	vst v5  }
0x6f: {  	[tilespmem:s0+$0x1D0] =	vst v6  }
0x70: {  	[tilespmem:s0+$0x1E0] =	vst v7  }
0x71: {  	s31 =	sadd.s32 $0x200, s31;
	[tilespmem:s0+$0x1F0] =	vst v8;
	s0 =	sadd.s32 $0x400, s0  }
0x72: {  	s0 =	sshll.u32 s29, $0x15  }
0x73: {  	s0 =	sor.u32 s10, s0  }
0x74: {  	s0 =	sshrl.u32 s0, $0x3  }
0x75: {  	p0 =	seq.s32 s29, $0x63;
	s0 =	sadd.s32 s1, s0  }
0x76: {  	[hbm4b:s0+s3] =	stream.linear.scatter [tilespmem:s22], [sflag:$0x3], $0x8000, $0x38;
	[tilespmem:$0x13900] =	vst v63  }
0x77: {  	s0 =	sshll.u32 @!p0 s29, $0xF  }
0x78: {  	p1 =	seq.s32 @!p0 s29, $0x0;
	_ =	swait.ge [sflag:s23], $0x1000;
	s0 =	sadd.s32 @!p0 s8, s0  }
0x79: {  	s2 =	simm.s32 @!p0 $0x0;
	[sflag:s23] =	ssyncset.done $0x0;
	s0 =	sshrl.u32 @!p0 s0, $0x3  }
0x7a: {  	s31 =	simm.s32 @!p0 $0x1900;
	[sflag:s23] =	ssyncadd.s32 $0xFFFFF000;
	s0 =	sadd.s32 @!p0 s4, s0  }
0x7b: {  	[tilespmem:s31], [sflag:$0x1] =	stream.linear.gather @!p0 [hbm4b:s0+s2], $0x1000, $0x38;
	[tilespmem:$0x13900] =	vst v63  }
0x7c: {  	p0 =	por p0, !p1  }
0x7d: {  	_ =	swait.ge @p0 [sflag:s26], $0x8000  }
0x7e: {  	[sflag:s26] =	ssyncset.done @p0 $0x0  }
0x7f: {  	s31 =	simm.s32 $0x0;
	s0 =	simm.s32 $0xBB00;
	[sflag:s26] =	ssyncadd.s32 @p0 $0xFFFF8000  }
.LBB2_5:
0x80: {  	s2 =	sshra.s32 s31, $0x2  }
0x81: {  	v1 =	vld [tilespmem:s2+$0x2900]  }
0x82: {  	v2 =	vld [tilespmem:s2+$0x2910]  }
0x83: {  	v3 =	vld [tilespmem:s2+$0x2920]  }
0x84: {  	v4 =	vld [tilespmem:s2+$0x2930]  }
0x85: {  	v5 =	vld [tilespmem:s2+$0x2940]  }
0x86: {  	v6 =	vld [tilespmem:s2+$0x2950];
	v1 =	vadd.s32 v0, v1  }
0x87: {  	v7 =	vld [tilespmem:s2+$0x2960];
	v2 =	vadd.s32 v0, v2  }
0x88: {  	v8 =	vld [tilespmem:s2+$0x2970];
	v3 =	vadd.s32 v0, v3  }
0x89: {  	v4 =	vadd.s32 v0, v4  }
0x8a: {  	v5 =	vadd.s32 v0, v5  }
0x8b: {  	v6 =	vadd.s32 v0, v6;
	v9 =	vld.idx.msk [tilespmem:v1+s3+$0x0], $0xffff  }
0x8c: {  	v7 =	vadd.s32 v0, v7;
	v10 =	vld.idx.msk [tilespmem:v2+s3+$0x0], $0xffff  }
0x8d: {  	v8 =	vadd.s32 v0, v8;
	v11 =	vld.idx.msk [tilespmem:v3+s3+$0x0], $0xffff  }
0x8e: {  	v12 =	vld.idx.msk [tilespmem:v4+s3+$0x0], $0xffff  }
0x8f: {  	v13 =	vld.idx.msk [tilespmem:v5+s3+$0x0], $0xffff  }
0x90: {  	v14 =	vld.idx.msk [tilespmem:v6+s3+$0x0], $0xffff  }
0x91: {  	v15 =	vld.idx.msk [tilespmem:v7+s3+$0x0], $0xffff  }
0x92: {  	v16 =	vld.idx.msk [tilespmem:v8+s3+$0x0], $0xffff  }
0x93: {  	v17 =	vld.idx.msk [tilespmem:v1+s15+$0x0], $0xffff;
	[tilespmem:s0+$0xFFFFFE00] =	vst v9  }
0x94: {  	v9 =	vld.idx.msk [tilespmem:v2+s15+$0x0], $0xffff;
	[tilespmem:s0+$0xFFFFFE10] =	vst v10  }
0x95: {  	v10 =	vld.idx.msk [tilespmem:v3+s15+$0x0], $0xffff;
	[tilespmem:s0+$0xFFFFFE20] =	vst v11  }
0x96: {  	v11 =	vld.idx.msk [tilespmem:v4+s15+$0x0], $0xffff;
	[tilespmem:s0+$0xFFFFFE30] =	vst v12  }
0x97: {  	v12 =	vld.idx.msk [tilespmem:v5+s15+$0x0], $0xffff;
	[tilespmem:s0+$0xFFFFFE40] =	vst v13  }
0x98: {  	v13 =	vld.idx.msk [tilespmem:v6+s15+$0x0], $0xffff;
	[tilespmem:s0+$0xFFFFFE50] =	vst v14  }
0x99: {  	v14 =	vld.idx.msk [tilespmem:v7+s15+$0x0], $0xffff;
	[tilespmem:s0+$0xFFFFFE60] =	vst v15  }
0x9a: {  	v15 =	vld.idx.msk [tilespmem:v8+s15+$0x0], $0xffff;
	[tilespmem:s0+$0xFFFFFE70] =	vst v16  }
0x9b: {  	v16 =	vld.idx.msk [tilespmem:v1+s16+$0x0], $0xffff;
	[tilespmem:s0+$0xFFFFFE80] =	vst v17  }
0x9c: {  	v17 =	vld.idx.msk [tilespmem:v2+s16+$0x0], $0xffff;
	[tilespmem:s0+$0xFFFFFE90] =	vst v9  }
0x9d: {  	v9 =	vld.idx.msk [tilespmem:v3+s16+$0x0], $0xffff;
	[tilespmem:s0+$0xFFFFFEA0] =	vst v10  }
0x9e: {  	v10 =	vld.idx.msk [tilespmem:v4+s16+$0x0], $0xffff;
	[tilespmem:s0+$0xFFFFFEB0] =	vst v11  }
0x9f: {  	v11 =	vld.idx.msk [tilespmem:v5+s16+$0x0], $0xffff;
	[tilespmem:s0+$0xFFFFFEC0] =	vst v12  }
0xa0: {  	v12 =	vld.idx.msk [tilespmem:v6+s16+$0x0], $0xffff;
	[tilespmem:s0+$0xFFFFFED0] =	vst v13  }
0xa1: {  	v13 =	vld.idx.msk [tilespmem:v7+s16+$0x0], $0xffff;
	[tilespmem:s0+$0xFFFFFEE0] =	vst v14  }
0xa2: {  	v14 =	vld.idx.msk [tilespmem:v8+s16+$0x0], $0xffff;
	[tilespmem:s0+$0xFFFFFEF0] =	vst v15  }
0xa3: {  	v15 =	vld.idx.msk [tilespmem:v1+s17+$0x0], $0xffff;
	[tilespmem:s0+$0xFFFFFF00] =	vst v16  }
0xa4: {  	v16 =	vld.idx.msk [tilespmem:v2+s17+$0x0], $0xffff;
	[tilespmem:s0+$0xFFFFFF10] =	vst v17  }
0xa5: {  	v17 =	vld.idx.msk [tilespmem:v3+s17+$0x0], $0xffff;
	[tilespmem:s0+$0xFFFFFF20] =	vst v9  }
0xa6: {  	v9 =	vld.idx.msk [tilespmem:v4+s17+$0x0], $0xffff;
	[tilespmem:s0+$0xFFFFFF30] =	vst v10  }
0xa7: {  	v10 =	vld.idx.msk [tilespmem:v5+s17+$0x0], $0xffff;
	[tilespmem:s0+$0xFFFFFF40] =	vst v11  }
0xa8: {  	v11 =	vld.idx.msk [tilespmem:v6+s17+$0x0], $0xffff;
	[tilespmem:s0+$0xFFFFFF50] =	vst v12  }
0xa9: {  	v12 =	vld.idx.msk [tilespmem:v7+s17+$0x0], $0xffff;
	[tilespmem:s0+$0xFFFFFF60] =	vst v13  }
0xaa: {  	v13 =	vld.idx.msk [tilespmem:v8+s17+$0x0], $0xffff;
	[tilespmem:s0+$0xFFFFFF70] =	vst v14  }
0xab: {  	v14 =	vld.idx.msk [tilespmem:v1+s18+$0x0], $0xffff;
	[tilespmem:s0+$0xFFFFFF80] =	vst v15  }
0xac: {  	v15 =	vld.idx.msk [tilespmem:v2+s18+$0x0], $0xffff;
	[tilespmem:s0+$0xFFFFFF90] =	vst v16  }
0xad: {  	v16 =	vld.idx.msk [tilespmem:v3+s18+$0x0], $0xffff;
	[tilespmem:s0+$0xFFFFFFA0] =	vst v17  }
0xae: {  	v17 =	vld.idx.msk [tilespmem:v4+s18+$0x0], $0xffff;
	[tilespmem:s0+$0xFFFFFFB0] =	vst v9  }
0xaf: {  	v9 =	vld.idx.msk [tilespmem:v5+s18+$0x0], $0xffff;
	[tilespmem:s0+$0xFFFFFFC0] =	vst v10  }
0xb0: {  	v10 =	vld.idx.msk [tilespmem:v6+s18+$0x0], $0xffff;
	[tilespmem:s0+$0xFFFFFFD0] =	vst v11  }
0xb1: {  	v11 =	vld.idx.msk [tilespmem:v7+s18+$0x0], $0xffff;
	[tilespmem:s0+$0xFFFFFFE0] =	vst v12  }
0xb2: {  	v12 =	vld.idx.msk [tilespmem:v8+s18+$0x0], $0xffff;
	[tilespmem:s0+$0xFFFFFFF0] =	vst v13  }
0xb3: {  	v13 =	vld.idx.msk [tilespmem:v1+s19+$0x0], $0xffff;
	[tilespmem:s0+$0x0] =	vst v14  }
0xb4: {  	v14 =	vld.idx.msk [tilespmem:v2+s19+$0x0], $0xffff;
	[tilespmem:s0+$0x10] =	vst v15  }
0xb5: {  	v15 =	vld.idx.msk [tilespmem:v3+s19+$0x0], $0xffff;
	[tilespmem:s0+$0x20] =	vst v16  }
0xb6: {  	v16 =	vld.idx.msk [tilespmem:v4+s19+$0x0], $0xffff;
	[tilespmem:s0+$0x30] =	vst v17  }
0xb7: {  	v17 =	vld.idx.msk [tilespmem:v5+s19+$0x0], $0xffff;
	[tilespmem:s0+$0x40] =	vst v9  }
0xb8: {  	v9 =	vld.idx.msk [tilespmem:v6+s19+$0x0], $0xffff;
	[tilespmem:s0+$0x50] =	vst v10  }
0xb9: {  	v10 =	vld.idx.msk [tilespmem:v7+s19+$0x0], $0xffff;
	[tilespmem:s0+$0x60] =	vst v11  }
0xba: {  	v11 =	vld.idx.msk [tilespmem:v8+s19+$0x0], $0xffff;
	[tilespmem:s0+$0x70] =	vst v12  }
0xbb: {  	v12 =	vld.idx.msk [tilespmem:v1+s20+$0x0], $0xffff;
	[tilespmem:s0+$0x80] =	vst v13  }
0xbc: {  	v13 =	vld.idx.msk [tilespmem:v2+s20+$0x0], $0xffff;
	[tilespmem:s0+$0x90] =	vst v14  }
0xbd: {  	v14 =	vld.idx.msk [tilespmem:v3+s20+$0x0], $0xffff;
	[tilespmem:s0+$0xA0] =	vst v15  }
0xbe: {  	v15 =	vld.idx.msk [tilespmem:v4+s20+$0x0], $0xffff;
	[tilespmem:s0+$0xB0] =	vst v16  }
0xbf: {  	v16 =	vld.idx.msk [tilespmem:v5+s20+$0x0], $0xffff;
	[tilespmem:s0+$0xC0] =	vst v17  }
0xc0: {  	v17 =	vld.idx.msk [tilespmem:v6+s20+$0x0], $0xffff;
	[tilespmem:s0+$0xD0] =	vst v9  }
0xc1: {  	v9 =	vld.idx.msk [tilespmem:v7+s20+$0x0], $0xffff;
	[tilespmem:s0+$0xE0] =	vst v10  }
0xc2: {  	v10 =	vld.idx.msk [tilespmem:v8+s20+$0x0], $0xffff;
	[tilespmem:s0+$0xF0] =	vst v11  }
0xc3: {  	v1 =	vld.idx.msk [tilespmem:v1+s21+$0x0], $0xffff;
	[tilespmem:s0+$0x100] =	vst v12  }
0xc4: {  	v2 =	vld.idx.msk [tilespmem:v2+s21+$0x0], $0xffff;
	[tilespmem:s0+$0x110] =	vst v13  }
0xc5: {  	v3 =	vld.idx.msk [tilespmem:v3+s21+$0x0], $0xffff;
	[tilespmem:s0+$0x120] =	vst v14  }
0xc6: {  	v4 =	vld.idx.msk [tilespmem:v4+s21+$0x0], $0xffff;
	[tilespmem:s0+$0x130] =	vst v15  }
0xc7: {  	v5 =	vld.idx.msk [tilespmem:v5+s21+$0x0], $0xffff;
	[tilespmem:s0+$0x140] =	vst v16  }
0xc8: {  	v6 =	vld.idx.msk [tilespmem:v6+s21+$0x0], $0xffff;
	[tilespmem:s0+$0x150] =	vst v17  }
0xc9: {  	v7 =	vld.idx.msk [tilespmem:v7+s21+$0x0], $0xffff;
	[tilespmem:s0+$0x160] =	vst v9  }
0xca: {  	v8 =	vld.idx.msk [tilespmem:v8+s21+$0x0], $0xffff;
	[tilespmem:s0+$0x170] =	vst v10  }
0xcb: {  	[tilespmem:s0+$0x180] =	vst v1  }
0xcc: {  	[tilespmem:s0+$0x190] =	vst v2  }
0xcd: {  	p0 =	sne.s32 s31, $0x3E00;
	[tilespmem:s0+$0x1A0] =	vst v3  }
.Ltmp1:
0xce: {  	[tilespmem:s0+$0x1B0] =	vst v4;
	(pc) =	sbr.rel @p0 .LBB2_5-.Ltmp1, $4  }
0xcf: {  	[tilespmem:s0+$0x1C0] =	vst v5  }
0xd0: {  	[tilespmem:s0+$0x1D0] =	vst v6  }
0xd1: {  	[tilespmem:s0+$0x1E0] =	vst v7  }
0xd2: {  	s31 =	sadd.s32 $0x200, s31;
	[tilespmem:s0+$0x1F0] =	vst v8;
	s0 =	sadd.s32 $0x400, s0  }
0xd3: {  	s29 =	sadd.s32 $0x1, s29  }
0xd4: {  	p0 =	sne.s32 s29, $0x64  }
.Ltmp2:
0xd5: {  	s0 =	sshll.u32 s30, $0x14;
	(pc) =	sbr.rel @p0 .LBB2_2-.Ltmp2, $4  }
0xd6: {  	s0 =	sor.u32 s10, s0  }
0xd7: {  	s0 =	sshrl.u32 s0, $0x3  }
0xd8: {  	s0 =	sadd.s32 s1, s0  }
0xd9: {  	[hbm4b:s0+s3] =	stream.linear.scatter [tilespmem:s24], [sflag:$0x4], $0x8000, $0x38;
	[tilespmem:$0x13900] =	vst v63  }
0xda: {  	s28 =	sadd.s32 $0x1, s28  }
0xdb: {  	_ =	swait.ge [sflag:s25], $0x8000;
	p0 =	sne.s32 s28, s9  }
.Ltmp3:
0xdc: {  	[sflag:s25] =	ssyncset.done $0x0;
	(pc) =	sbr.rel @p0 .LBB2_1-.Ltmp3, $4  }
0xdd: {  	[sflag:s25] =	ssyncadd.s32 $0xFFFF8000  }
0xde: {  	_ =	swait.ge [sflag:s26], $0x8000  }
0xdf: {  	[sflag:s26] =	ssyncset.done $0x0  }
0xe0: {  	[sflag:s26] =	ssyncadd.s32 $0xFFFF8000  }
0xe1: {  	_ =	sfence.sel $0x180000  }
0xe2: {  	[bflag:$0x0] =	sbarrier.arrive $0xFFFF  }
0xe3: {  	_ =	strace $0x90000047  }
0xe4: {  	s0 =	stileid.u32;
	[bflag:$0x2] =	sbarrier.arrive $0xFFFF  }
0xe5: {  	p0 =	sne.s32 s0, $0x0;
	s0 =	rddreg [dreg:$0x2]  }
0xe6: {  	s0 =	sadd.s32 @!p0 $0x100000, s0  }
0xe7: {  	[sflag:s0] =	ssyncadd.tile.s32 @!p0 $0x1;
	_ =	shalt  }
.Lfunc_end2:
_tile_overlayer_lowered:
.L_overlay_start_2:
0xe8: {  	(tag) =	ssettag $0x2  }
0xe9: {  	s0 =	rddreg [dreg:$0x0];
	s2 =	stileid.u32  }
0xea: {  	s1 =	rddreg [dreg:$0x1];
	p0 =	sne.s32 s2, $0x0  }
0xeb: {  	s3 =	rddreg [dreg:$0x2];
	[bflag:$0x3] =	sbarrier.arrive $0xFFFF;
	s2 =	simm.s32 @!p0 $0x1C05  }
0xec: {  	[timem:s3], [sflag:s2] =	dma.local @!p0 [hbm:s0], s1  }
0xed: {  	s0 =	simm.s32 @!p0 $0x5  }
0xee: {  	_ =	swait.ge @!p0 [sflag:s0], s1  }
0xef: {  	s1 =	ssub.s32 @!p0 $0x0, s1;
	[sflag:s0] =	ssyncset.done @!p0 $0x0  }
0xf0: {  	[sflag:s0] =	ssyncadd.s32 @!p0 s1  }
0xf1: {  	[bflag:$0x3] =	sbarrier.arrive $0xFFFF  }
0xf2: {  	_ =	shalt  }

</sc_bundles>
